<compile_context>
chip_gen: v7x
topology: tpu7x:2x2x1
jax: 0.10.2.dev20260603
libtpu: 0.0.44.dev20260713+nightly
codegen_flags: <defaults>
</compile_context>

<pallas_src>
import functools

import jax
import jax.numpy as jnp
from jax import lax
from jax.experimental import pallas as pl
from jax.experimental.pallas import tpu as pltpu
from jax.experimental.pallas import tpu_sc as plsc

BATCH = 16384
FEAT = 128
NUM_CORES = 2
NUM_SUBCORES = 16
NUM_WORKERS = NUM_CORES * NUM_SUBCORES
ROWS_PER_WORKER = BATCH // NUM_WORKERS
CHUNK = 128
NUM_CHUNKS = ROWS_PER_WORKER // CHUNK
LANES = 16
VECS_PER_ROW = FEAT // LANES

_mesh = plsc.VectorSubcoreMesh(
    core_axis_name="c", subcore_axis_name="s", num_cores=NUM_CORES
)


@functools.partial(
    pl.kernel,
    out_type=jax.ShapeDtypeStruct((NUM_WORKERS, LANES), jnp.float32),
    mesh=_mesh,
    scratch_types=[
        pltpu.VMEM((ROWS_PER_WORKER,), jnp.int32),
        pltpu.VMEM((2, CHUNK, FEAT), jnp.float32),
        pltpu.VMEM((2, CHUNK, FEAT), jnp.float32),
        pltpu.VMEM((LANES,), jnp.float32),
        pltpu.SemaphoreType.DMA,
        pltpu.SemaphoreType.DMA,
        pltpu.SemaphoreType.DMA,
        pltpu.SemaphoreType.DMA,
    ],
)
def _center_loss_partials(
    features_hbm,
    labels_hbm,
    centers_hbm,
    out_hbm,
    lab_v,
    f_v,
    c_v,
    acc_v,
    fsem0,
    fsem1,
    gsem0,
    gsem1,
):
    wid = lax.axis_index("s") * NUM_CORES + lax.axis_index("c")
    base = wid * ROWS_PER_WORKER

    pltpu.sync_copy(labels_hbm.at[pl.ds(base, ROWS_PER_WORKER)], lab_v)

    fsems = (fsem0, fsem1)
    gsems = (gsem0, gsem1)

    def start_chunk(k):
        buf = k % 2
        row0 = base + k * CHUNK
        fcp = pltpu.make_async_copy(
            features_hbm.at[pl.ds(row0, CHUNK), :], f_v.at[buf], fsems[buf]
        )
        gcp = pltpu.make_async_copy(
            centers_hbm.at[lab_v.at[pl.ds(k * CHUNK, CHUNK)]],
            c_v.at[buf],
            gsems[buf],
        )
        fcp.start()
        gcp.start()
        return fcp, gcp

    inflight = start_chunk(0)
    acc = jnp.zeros((LANES,), jnp.float32)

    for k in range(NUM_CHUNKS):
        fcp, gcp = inflight
        if k + 1 < NUM_CHUNKS:
            inflight = start_chunk(k + 1)
        fcp.wait()
        gcp.wait()

        buf = k % 2
        fb = f_v.at[buf]
        cb = c_v.at[buf]

        def row_body(r, acc):
            for j in range(VECS_PER_ROW):
                d = fb[r, pl.ds(j * LANES, LANES)] - cb[r, pl.ds(j * LANES, LANES)]
                acc = acc + d * d
            return acc

        acc = lax.fori_loop(0, CHUNK, row_body, acc)

    acc_v[...] = acc
    pltpu.sync_copy(acc_v, out_hbm.at[wid])


def kernel(features, labels, centers):
    labels = labels.astype(jnp.int32)
    partials = _center_loss_partials(features, labels, centers)
    return jnp.sum(partials) / 2.0 / BATCH

# --- scband reference (transcript-rebuilt; emitter-appended) ---
"""Pipeline reference for scband-center-loss-50225347559946 (READ-ONLY COPY).

The authoritative reference and input builder live on the scoring server;
editing this copy changes nothing except your own understanding.
"""

import jax, jax.numpy as jnp
import numpy as np

NUM_CLASSES = 100000
FEAT_DIM = 128
BATCH = 16384

def setup_inputs(seed: int = 0) -> dict:
    key = jax.random.key(seed)
    k1, k2, k3 = jax.random.split(key, 3)
    features = jax.random.normal(k1, (BATCH, FEAT_DIM), dtype=jnp.float32)
    labels = jax.random.randint(k2, (BATCH,), 0, NUM_CLASSES, dtype=jnp.int64)
    centers = jax.random.normal(k3, (NUM_CLASSES, FEAT_DIM), dtype=jnp.float32)
    return {"features": features, "labels": labels, "centers": centers}

def reference(features, labels, centers):
    batch_size = features.shape[0]
    features = features.reshape(batch_size, -1)
    # centers_batch = centers.index_select(0, label)
    centers_batch = jnp.take(centers, labels, axis=0)
    # (feature - centers_batch).pow(2).sum() / 2.0 / batch_size (size_average=True)
    loss = jnp.sum((features - centers_batch) ** 2) / 2.0 / batch_size
    return loss

if __name__ == "__main__":
    import jax
    _d = setup_inputs()
    print(jax.jit(kernel)(*tuple(_d.values())))

</pallas_src>

<mosaic_0001>
#map = affine_map<(d0, d1) -> (0, 0)>
#map1 = affine_map<(d0, d1) -> (0)>
module attributes {stable_mosaic.version = 14 : i64} {
  func.func @_center_loss_partials(%arg0: i32, %arg1: i32, %arg2: memref<16384x128xf32, #tpu.memory_space<hbm>>, %arg3: memref<16384xi32, #tpu.memory_space<hbm>>, %arg4: memref<100000x128xf32, #tpu.memory_space<hbm>>, %arg5: memref<32x16xf32, #tpu.memory_space<hbm>>, %arg6: memref<512xi32, #tpu.memory_space<vmem>>, %arg7: memref<2x128x128xf32, #tpu.memory_space<vmem>>, %arg8: memref<2x128x128xf32, #tpu.memory_space<vmem>>, %arg9: memref<16xf32, #tpu.memory_space<vmem>>, %arg10: memref<!tpu.dma_semaphore, #tpu.memory_space<semaphore_mem>>, %arg11: memref<!tpu.dma_semaphore, #tpu.memory_space<semaphore_mem>>, %arg12: memref<!tpu.dma_semaphore, #tpu.memory_space<semaphore_mem>>, %arg13: memref<!tpu.dma_semaphore, #tpu.memory_space<semaphore_mem>>) attributes {dimension_semantics = [#tpu.dimension_semantics<core_parallel>, #tpu.dimension_semantics<subcore_parallel>], iteration_bounds = array<i64: 2, 16>, scalar_prefetch = 0 : i64, scratch_operands = 8 : i64, tpu.core_type = #tpu.core_type<sc_vector_subcore>, window_params = [{transform_indices = #map}, {transform_indices = #map1}, {transform_indices = #map}, {transform_indices = #map}]} {
    %mul3A = arith.constant 2 : i32
    %mul3A_0 = arith.muli %arg1, %mul3A : i32
    %add3A = arith.addi %mul3A_0, %arg0 : i32
    %mul3A_1 = arith.constant 512 : i32
    %mul3A_2 = arith.muli %add3A, %mul3A_1 : i32
    "tpu.region"() ({
      %run_scoped3A = tpu.sem_alloc : memref<!tpu.dma_semaphore, #tpu.memory_space<semaphore_mem>>
      %dma_start3A_228 = tpu.memref_slice %arg3[%mul3A_2] : memref<16384xi32, #tpu.memory_space<hbm>> -> memref<512xi32, #tpu.memory_space<hbm>>
      %dma_start3A_229 = tpu.memref_slice %arg3[%mul3A_2] : memref<16384xi32, #tpu.memory_space<hbm>> -> memref<512xi32, #tpu.memory_space<hbm>>
      tpu.enqueue_dma source(%dma_start3A_229 : memref<512xi32, #tpu.memory_space<hbm>>) target(%arg6 : memref<512xi32, #tpu.memory_space<vmem>>) target_semaphore(%run_scoped3A : memref<!tpu.dma_semaphore, #tpu.memory_space<semaphore_mem>>)
      %dma_wait3A_230 = tpu.memref_slice %arg3[%mul3A_2] : memref<16384xi32, #tpu.memory_space<hbm>> -> memref<512xi32, #tpu.memory_space<hbm>>
      %dma_wait3A_231 = tpu.memref_slice %arg3[%mul3A_2] : memref<16384xi32, #tpu.memory_space<hbm>> -> memref<512xi32, #tpu.memory_space<hbm>>
      tpu.wait_dma2 semaphore(%run_scoped3A : memref<!tpu.dma_semaphore, #tpu.memory_space<semaphore_mem>>) src(%dma_wait3A_231 : memref<512xi32, #tpu.memory_space<hbm>>) dst(%arg6 : memref<512xi32, #tpu.memory_space<vmem>>)
      tpu.yield
    }) : () -> ()
    %add3A_3 = arith.constant 0 : i32
    %add3A_4 = arith.addi %mul3A_2, %add3A_3 : i32
    %dma_start3A = arith.constant 0 : i32
    %dma_start3A_5 = arith.constant 0 : i32
    %dma_start3A_6 = arith.constant 0 : i32
    %dma_start3A_7 = tpu.memref_slice %arg7[%dma_start3A, %dma_start3A_5, %dma_start3A_6] : memref<2x128x128xf32, #tpu.memory_space<vmem>> -> memref<1x128x128xf32, #tpu.memory_space<vmem>>
    %dma_start3A_8 = tpu.memref_squeeze %dma_start3A_7 : memref<1x128x128xf32, #tpu.memory_space<vmem>> -> memref<128x128xf32, #tpu.memory_space<vmem>>
    %dma_start3A_9 = arith.constant 0 : i32
    %dma_start3A_10 = tpu.memref_slice %arg2[%add3A_4, %dma_start3A_9] : memref<16384x128xf32, #tpu.memory_space<hbm>> -> memref<128x128xf32, #tpu.memory_space<hbm>>
    %dma_start3A_11 = arith.constant 0 : i32
    %dma_start3A_12 = arith.constant 0 : i32
    %dma_start3A_13 = tpu.memref_slice %arg7[%dma_start3A, %dma_start3A_11, %dma_start3A_12] : memref<2x128x128xf32, #tpu.memory_space<vmem>> -> memref<1x128x128xf32, #tpu.memory_space<vmem>>
    %dma_start3A_14 = tpu.memref_squeeze %dma_start3A_13 : memref<1x128x128xf32, #tpu.memory_space<vmem>> -> memref<128x128xf32, #tpu.memory_space<vmem>>
    %dma_start3A_15 = arith.constant 0 : i32
    %dma_start3A_16 = tpu.memref_slice %arg2[%add3A_4, %dma_start3A_15] : memref<16384x128xf32, #tpu.memory_space<hbm>> -> memref<128x128xf32, #tpu.memory_space<hbm>>
    tpu.enqueue_dma source(%dma_start3A_16 : memref<128x128xf32, #tpu.memory_space<hbm>>) target(%dma_start3A_14 : memref<128x128xf32, #tpu.memory_space<vmem>>) target_semaphore(%arg10 : memref<!tpu.dma_semaphore, #tpu.memory_space<semaphore_mem>>)
    %dma_start3A_17 = arith.constant 0 : i32
    %dma_start3A_18 = arith.constant 0 : i32
    %dma_start3A_19 = arith.constant 0 : i32
    %dma_start3A_20 = tpu.memref_slice %arg8[%dma_start3A_17, %dma_start3A_18, %dma_start3A_19] : memref<2x128x128xf32, #tpu.memory_space<vmem>> -> memref<1x128x128xf32, #tpu.memory_space<vmem>>
    %dma_start3A_21 = tpu.memref_squeeze %dma_start3A_20 : memref<1x128x128xf32, #tpu.memory_space<vmem>> -> memref<128x128xf32, #tpu.memory_space<vmem>>
    %dma_start3A_22 = arith.constant 0 : i32
    %dma_start3A_23 = tpu.memref_slice %arg6[%dma_start3A_22] : memref<512xi32, #tpu.memory_space<vmem>> -> memref<128xi32, #tpu.memory_space<vmem>>
    %dma_start3A_24 = arith.constant 0 : i32
    %dma_start3A_25 = arith.constant 0 : i32
    %dma_start3A_26 = tpu.memref_slice %arg4[%dma_start3A_24, %dma_start3A_25] : memref<100000x128xf32, #tpu.memory_space<hbm>> -> memref<100000x128xf32, #tpu.memory_space<hbm>>
    tpu.enqueue_indirect_dma source(%dma_start3A_26 : memref<100000x128xf32, #tpu.memory_space<hbm>>) target(%dma_start3A_21 : memref<128x128xf32, #tpu.memory_space<vmem>>) offsets(%dma_start3A_23 : memref<128xi32, #tpu.memory_space<vmem>>) semaphore(%arg12 : memref<!tpu.dma_semaphore, #tpu.memory_space<semaphore_mem>>)
    %broadcast_in_dim3A = arith.constant 0.000000e+00 : f32
    %broadcast_in_dim3A_27 = vector.broadcast %broadcast_in_dim3A : f32 to vector<16xf32>
    %add3A_28 = arith.constant 128 : i32
    %add3A_29 = arith.addi %mul3A_2, %add3A_28 : i32
    %dma_start3A_30 = arith.constant 1 : i32
    %dma_start3A_31 = arith.constant 0 : i32
    %dma_start3A_32 = arith.constant 0 : i32
    %dma_start3A_33 = tpu.memref_slice %arg7[%dma_start3A_30, %dma_start3A_31, %dma_start3A_32] : memref<2x128x128xf32, #tpu.memory_space<vmem>> -> memref<1x128x128xf32, #tpu.memory_space<vmem>>
    %dma_start3A_34 = tpu.memref_squeeze %dma_start3A_33 : memref<1x128x128xf32, #tpu.memory_space<vmem>> -> memref<128x128xf32, #tpu.memory_space<vmem>>
    %dma_start3A_35 = arith.constant 0 : i32
    %dma_start3A_36 = tpu.memref_slice %arg2[%add3A_29, %dma_start3A_35] : memref<16384x128xf32, #tpu.memory_space<hbm>> -> memref<128x128xf32, #tpu.memory_space<hbm>>
    %dma_start3A_37 = arith.constant 0 : i32
    %dma_start3A_38 = arith.constant 0 : i32
    %dma_start3A_39 = tpu.memref_slice %arg7[%dma_start3A_30, %dma_start3A_37, %dma_start3A_38] : memref<2x128x128xf32, #tpu.memory_space<vmem>> -> memref<1x128x128xf32, #tpu.memory_space<vmem>>
    %dma_start3A_40 = tpu.memref_squeeze %dma_start3A_39 : memref<1x128x128xf32, #tpu.memory_space<vmem>> -> memref<128x128xf32, #tpu.memory_space<vmem>>
    %dma_start3A_41 = arith.constant 0 : i32
    %dma_start3A_42 = tpu.memref_slice %arg2[%add3A_29, %dma_start3A_41] : memref<16384x128xf32, #tpu.memory_space<hbm>> -> memref<128x128xf32, #tpu.memory_space<hbm>>
    tpu.enqueue_dma source(%dma_start3A_42 : memref<128x128xf32, #tpu.memory_space<hbm>>) target(%dma_start3A_40 : memref<128x128xf32, #tpu.memory_space<vmem>>) target_semaphore(%arg11 : memref<!tpu.dma_semaphore, #tpu.memory_space<semaphore_mem>>)
    %dma_start3A_43 = arith.constant 1 : i32
    %dma_start3A_44 = arith.constant 0 : i32
    %dma_start3A_45 = arith.constant 0 : i32
    %dma_start3A_46 = tpu.memref_slice %arg8[%dma_start3A_43, %dma_start3A_44, %dma_start3A_45] : memref<2x128x128xf32, #tpu.memory_space<vmem>> -> memref<1x128x128xf32, #tpu.memory_space<vmem>>
    %dma_start3A_47 = tpu.memref_squeeze %dma_start3A_46 : memref<1x128x128xf32, #tpu.memory_space<vmem>> -> memref<128x128xf32, #tpu.memory_space<vmem>>
    %dma_start3A_48 = arith.constant 128 : i32
    %dma_start3A_49 = tpu.memref_slice %arg6[%dma_start3A_48] : memref<512xi32, #tpu.memory_space<vmem>> -> memref<128xi32, #tpu.memory_space<vmem>>
    %dma_start3A_50 = arith.constant 0 : i32
    %dma_start3A_51 = arith.constant 0 : i32
    %dma_start3A_52 = tpu.memref_slice %arg4[%dma_start3A_50, %dma_start3A_51] : memref<100000x128xf32, #tpu.memory_space<hbm>> -> memref<100000x128xf32, #tpu.memory_space<hbm>>
    tpu.enqueue_indirect_dma source(%dma_start3A_52 : memref<100000x128xf32, #tpu.memory_space<hbm>>) target(%dma_start3A_47 : memref<128x128xf32, #tpu.memory_space<vmem>>) offsets(%dma_start3A_49 : memref<128xi32, #tpu.memory_space<vmem>>) semaphore(%arg13 : memref<!tpu.dma_semaphore, #tpu.memory_space<semaphore_mem>>)
    %dma_wait3A = arith.constant 0 : i32
    %dma_wait3A_53 = arith.constant 0 : i32
    %dma_wait3A_54 = arith.constant 0 : i32
    %dma_wait3A_55 = tpu.memref_slice %arg7[%dma_wait3A, %dma_wait3A_53, %dma_wait3A_54] : memref<2x128x128xf32, #tpu.memory_space<vmem>> -> memref<1x128x128xf32, #tpu.memory_space<vmem>>
    %dma_wait3A_56 = tpu.memref_squeeze %dma_wait3A_55 : memref<1x128x128xf32, #tpu.memory_space<vmem>> -> memref<128x128xf32, #tpu.memory_space<vmem>>
    %dma_wait3A_57 = arith.constant 0 : i32
    %dma_wait3A_58 = tpu.memref_slice %arg2[%add3A_4, %dma_wait3A_57] : memref<16384x128xf32, #tpu.memory_space<hbm>> -> memref<128x128xf32, #tpu.memory_space<hbm>>
    %dma_wait3A_59 = arith.constant 0 : i32
    %dma_wait3A_60 = arith.constant 0 : i32
    %dma_wait3A_61 = tpu.memref_slice %arg7[%dma_wait3A, %dma_wait3A_59, %dma_wait3A_60] : memref<2x128x128xf32, #tpu.memory_space<vmem>> -> memref<1x128x128xf32, #tpu.memory_space<vmem>>
    %dma_wait3A_62 = tpu.memref_squeeze %dma_wait3A_61 : memref<1x128x128xf32, #tpu.memory_space<vmem>> -> memref<128x128xf32, #tpu.memory_space<vmem>>
    %dma_wait3A_63 = arith.constant 0 : i32
    %dma_wait3A_64 = tpu.memref_slice %arg2[%add3A_4, %dma_wait3A_63] : memref<16384x128xf32, #tpu.memory_space<hbm>> -> memref<128x128xf32, #tpu.memory_space<hbm>>
    tpu.wait_dma2 semaphore(%arg10 : memref<!tpu.dma_semaphore, #tpu.memory_space<semaphore_mem>>) src(%dma_wait3A_64 : memref<128x128xf32, #tpu.memory_space<hbm>>) dst(%dma_wait3A_62 : memref<128x128xf32, #tpu.memory_space<vmem>>)
    %dma_wait3A_65 = arith.constant 0 : i32
    %dma_wait3A_66 = arith.constant 0 : i32
    %dma_wait3A_67 = arith.constant 0 : i32
    %dma_wait3A_68 = tpu.memref_slice %arg8[%dma_wait3A_65, %dma_wait3A_66, %dma_wait3A_67] : memref<2x128x128xf32, #tpu.memory_space<vmem>> -> memref<1x128x128xf32, #tpu.memory_space<vmem>>
    %dma_wait3A_69 = tpu.memref_squeeze %dma_wait3A_68 : memref<1x128x128xf32, #tpu.memory_space<vmem>> -> memref<128x128xf32, #tpu.memory_space<vmem>>
    %dma_wait3A_70 = arith.constant 0 : i32
    %dma_wait3A_71 = tpu.memref_slice %arg6[%dma_wait3A_70] : memref<512xi32, #tpu.memory_space<vmem>> -> memref<128xi32, #tpu.memory_space<vmem>>
    %dma_wait3A_72 = arith.constant 0 : i32
    %dma_wait3A_73 = arith.constant 0 : i32
    %dma_wait3A_74 = tpu.memref_slice %arg4[%dma_wait3A_72, %dma_wait3A_73] : memref<100000x128xf32, #tpu.memory_space<hbm>> -> memref<100000x128xf32, #tpu.memory_space<hbm>>
    tpu.wait_indirect_dma semaphore(%arg12 : memref<!tpu.dma_semaphore, #tpu.memory_space<semaphore_mem>>) src(%dma_wait3A_74 : memref<100000x128xf32, #tpu.memory_space<hbm>>) dst(%dma_wait3A_69 : memref<128x128xf32, #tpu.memory_space<vmem>>)
    %scan3A = arith.constant 0 : i32
    %scan3A_75 = arith.constant 0 : i32
    %scan3A_76 = arith.constant 0 : i32
    %scan3A_77 = arith.constant 128 : i32
    %scan3A_78 = arith.addi %scan3A_76, %scan3A_77 : i32
    %scan3A_79 = arith.constant 1 : i32
    %scan3A_80 = scf.for %scan3A_228 = %scan3A_76 to %scan3A_78 step %scan3A_79 iter_args(%scan3A_229 = %broadcast_in_dim3A_27) -> (vector<16xf32>)  : i32 {
      %get3A = arith.constant 0 : i32
      %get3A_230 = arith.constant 0 : i32
      %get3A_231 = tpu.memref_slice %arg7[%scan3A, %get3A, %get3A_230] : memref<2x128x128xf32, #tpu.memory_space<vmem>> -> memref<1x128x128xf32, #tpu.memory_space<vmem>>
      %get3A_232 = tpu.memref_squeeze %get3A_231 : memref<1x128x128xf32, #tpu.memory_space<vmem>> -> memref<128x128xf32, #tpu.memory_space<vmem>>
      %get3A_233 = arith.index_cast %scan3A_228 : i32 to index
      %get3A_234 = arith.constant 0 : index
      %get3A_235 = tpu.vector_load %get3A_232[%get3A_233, %get3A_234] {strides = array<i32>} : memref<128x128xf32, #tpu.memory_space<vmem>>, vector<1x16xf32>,
      %get3A_236 = vector.shape_cast %get3A_235 : vector<1x16xf32> to vector<16xf32>
      %get3A_237 = arith.constant 0 : i32
      %get3A_238 = arith.constant 0 : i32
      %get3A_239 = tpu.memref_slice %arg8[%scan3A_75, %get3A_237, %get3A_238] : memref<2x128x128xf32, #tpu.memory_space<vmem>> -> memref<1x128x128xf32, #tpu.memory_space<vmem>>
      %get3A_240 = tpu.memref_squeeze %get3A_239 : memref<1x128x128xf32, #tpu.memory_space<vmem>> -> memref<128x128xf32, #tpu.memory_space<vmem>>
      %get3A_241 = arith.index_cast %scan3A_228 : i32 to index
      %get3A_242 = arith.constant 0 : index
      %get3A_243 = tpu.vector_load %get3A_240[%get3A_241, %get3A_242] {strides = array<i32>} : memref<128x128xf32, #tpu.memory_space<vmem>>, vector<1x16xf32>,
      %get3A_244 = vector.shape_cast %get3A_243 : vector<1x16xf32> to vector<16xf32>
      %sub3A = arith.subf %get3A_236, %get3A_244 : vector<16xf32>
      %mul3A_245 = arith.mulf %sub3A, %sub3A : vector<16xf32>
      %add3A_246 = arith.addf %scan3A_229, %mul3A_245 : vector<16xf32>
      %get3A_247 = arith.constant 0 : i32
      %get3A_248 = arith.constant 0 : i32
      %get3A_249 = tpu.memref_slice %arg7[%scan3A, %get3A_247, %get3A_248] : memref<2x128x128xf32, #tpu.memory_space<vmem>> -> memref<1x128x128xf32, #tpu.memory_space<vmem>>
      %get3A_250 = tpu.memref_squeeze %get3A_249 : memref<1x128x128xf32, #tpu.memory_space<vmem>> -> memref<128x128xf32, #tpu.memory_space<vmem>>
      %get3A_251 = arith.index_cast %scan3A_228 : i32 to index
      %get3A_252 = arith.constant 16 : index
      %get3A_253 = tpu.vector_load %get3A_250[%get3A_251, %get3A_252] {strides = array<i32>} : memref<128x128xf32, #tpu.memory_space<vmem>>, vector<1x16xf32>,
      %get3A_254 = vector.shape_cast %get3A_253 : vector<1x16xf32> to vector<16xf32>
      %get3A_255 = arith.constant 0 : i32
      %get3A_256 = arith.constant 0 : i32
      %get3A_257 = tpu.memref_slice %arg8[%scan3A_75, %get3A_255, %get3A_256] : memref<2x128x128xf32, #tpu.memory_space<vmem>> -> memref<1x128x128xf32, #tpu.memory_space<vmem>>
      %get3A_258 = tpu.memref_squeeze %get3A_257 : memref<1x128x128xf32, #tpu.memory_space<vmem>> -> memref<128x128xf32, #tpu.memory_space<vmem>>
      %get3A_259 = arith.index_cast %scan3A_228 : i32 to index
      %get3A_260 = arith.constant 16 : index
      %get3A_261 = tpu.vector_load %get3A_258[%get3A_259, %get3A_260] {strides = array<i32>} : memref<128x128xf32, #tpu.memory_space<vmem>>, vector<1x16xf32>,
      %get3A_262 = vector.shape_cast %get3A_261 : vector<1x16xf32> to vector<16xf32>
      %sub3A_263 = arith.subf %get3A_254, %get3A_262 : vector<16xf32>
      %mul3A_264 = arith.mulf %sub3A_263, %sub3A_263 : vector<16xf32>
      %add3A_265 = arith.addf %add3A_246, %mul3A_264 : vector<16xf32>
      %get3A_266 = arith.constant 0 : i32
      %get3A_267 = arith.constant 0 : i32
      %get3A_268 = tpu.memref_slice %arg7[%scan3A, %get3A_266, %get3A_267] : memref<2x128x128xf32, #tpu.memory_space<vmem>> -> memref<1x128x128xf32, #tpu.memory_space<vmem>>
      %get3A_269 = tpu.memref_squeeze %get3A_268 : memref<1x128x128xf32, #tpu.memory_space<vmem>> -> memref<128x128xf32, #tpu.memory_space<vmem>>
      %get3A_270 = arith.index_cast %scan3A_228 : i32 to index
      %get3A_271 = arith.constant 32 : index
      %get3A_272 = tpu.vector_load %get3A_269[%get3A_270, %get3A_271] {strides = array<i32>} : memref<128x128xf32, #tpu.memory_space<vmem>>, vector<1x16xf32>,
      %get3A_273 = vector.shape_cast %get3A_272 : vector<1x16xf32> to vector<16xf32>
      %get3A_274 = arith.constant 0 : i32
      %get3A_275 = arith.constant 0 : i32
      %get3A_276 = tpu.memref_slice %arg8[%scan3A_75, %get3A_274, %get3A_275] : memref<2x128x128xf32, #tpu.memory_space<vmem>> -> memref<1x128x128xf32, #tpu.memory_space<vmem>>
      %get3A_277 = tpu.memref_squeeze %get3A_276 : memref<1x128x128xf32, #tpu.memory_space<vmem>> -> memref<128x128xf32, #tpu.memory_space<vmem>>
      %get3A_278 = arith.index_cast %scan3A_228 : i32 to index
      %get3A_279 = arith.constant 32 : index
      %get3A_280 = tpu.vector_load %get3A_277[%get3A_278, %get3A_279] {strides = array<i32>} : memref<128x128xf32, #tpu.memory_space<vmem>>, vector<1x16xf32>,
      %get3A_281 = vector.shape_cast %get3A_280 : vector<1x16xf32> to vector<16xf32>
      %sub3A_282 = arith.subf %get3A_273, %get3A_281 : vector<16xf32>
      %mul3A_283 = arith.mulf %sub3A_282, %sub3A_282 : vector<16xf32>
      %add3A_284 = arith.addf %add3A_265, %mul3A_283 : vector<16xf32>
      %get3A_285 = arith.constant 0 : i32
      %get3A_286 = arith.constant 0 : i32
      %get3A_287 = tpu.memref_slice %arg7[%scan3A, %get3A_285, %get3A_286] : memref<2x128x128xf32, #tpu.memory_space<vmem>> -> memref<1x128x128xf32, #tpu.memory_space<vmem>>
      %get3A_288 = tpu.memref_squeeze %get3A_287 : memref<1x128x128xf32, #tpu.memory_space<vmem>> -> memref<128x128xf32, #tpu.memory_space<vmem>>
      %get3A_289 = arith.index_cast %scan3A_228 : i32 to index
      %get3A_290 = arith.constant 48 : index
      %get3A_291 = tpu.vector_load %get3A_288[%get3A_289, %get3A_290] {strides = array<i32>} : memref<128x128xf32, #tpu.memory_space<vmem>>, vector<1x16xf32>,
      %get3A_292 = vector.shape_cast %get3A_291 : vector<1x16xf32> to vector<16xf32>
      %get3A_293 = arith.constant 0 : i32
      %get3A_294 = arith.constant 0 : i32
      %get3A_295 = tpu.memref_slice %arg8[%scan3A_75, %get3A_293, %get3A_294] : memref<2x128x128xf32, #tpu.memory_space<vmem>> -> memref<1x128x128xf32, #tpu.memory_space<vmem>>
      %get3A_296 = tpu.memref_squeeze %get3A_295 : memref<1x128x128xf32, #tpu.memory_space<vmem>> -> memref<128x128xf32, #tpu.memory_space<vmem>>
      %get3A_297 = arith.index_cast %scan3A_228 : i32 to index
      %get3A_298 = arith.constant 48 : index
      %get3A_299 = tpu.vector_load %get3A_296[%get3A_297, %get3A_298] {strides = array<i32>} : memref<128x128xf32, #tpu.memory_space<vmem>>, vector<1x16xf32>,
      %get3A_300 = vector.shape_cast %get3A_299 : vector<1x16xf32> to vector<16xf32>
      %sub3A_301 = arith.subf %get3A_292, %get3A_300 : vector<16xf32>
      %mul3A_302 = arith.mulf %sub3A_301, %sub3A_301 : vector<16xf32>
      %add3A_303 = arith.addf %add3A_284, %mul3A_302 : vector<16xf32>
      %get3A_304 = arith.constant 0 : i32
      %get3A_305 = arith.constant 0 : i32
      %get3A_306 = tpu.memref_slice %arg7[%scan3A, %get3A_304, %get3A_305] : memref<2x128x128xf32, #tpu.memory_space<vmem>> -> memref<1x128x128xf32, #tpu.memory_space<vmem>>
      %get3A_307 = tpu.memref_squeeze %get3A_306 : memref<1x128x128xf32, #tpu.memory_space<vmem>> -> memref<128x128xf32, #tpu.memory_space<vmem>>
      %get3A_308 = arith.index_cast %scan3A_228 : i32 to index
      %get3A_309 = arith.constant 64 : index
      %get3A_310 = tpu.vector_load %get3A_307[%get3A_308, %get3A_309] {strides = array<i32>} : memref<128x128xf32, #tpu.memory_space<vmem>>, vector<1x16xf32>,
      %get3A_311 = vector.shape_cast %get3A_310 : vector<1x16xf32> to vector<16xf32>
      %get3A_312 = arith.constant 0 : i32
      %get3A_313 = arith.constant 0 : i32
      %get3A_314 = tpu.memref_slice %arg8[%scan3A_75, %get3A_312, %get3A_313] : memref<2x128x128xf32, #tpu.memory_space<vmem>> -> memref<1x128x128xf32, #tpu.memory_space<vmem>>
      %get3A_315 = tpu.memref_squeeze %get3A_314 : memref<1x128x128xf32, #tpu.memory_space<vmem>> -> memref<128x128xf32, #tpu.memory_space<vmem>>
      %get3A_316 = arith.index_cast %scan3A_228 : i32 to index
      %get3A_317 = arith.constant 64 : index
      %get3A_318 = tpu.vector_load %get3A_315[%get3A_316, %get3A_317] {strides = array<i32>} : memref<128x128xf32, #tpu.memory_space<vmem>>, vector<1x16xf32>,
      %get3A_319 = vector.shape_cast %get3A_318 : vector<1x16xf32> to vector<16xf32>
      %sub3A_320 = arith.subf %get3A_311, %get3A_319 : vector<16xf32>
      %mul3A_321 = arith.mulf %sub3A_320, %sub3A_320 : vector<16xf32>
      %add3A_322 = arith.addf %add3A_303, %mul3A_321 : vector<16xf32>
      %get3A_323 = arith.constant 0 : i32
      %get3A_324 = arith.constant 0 : i32
      %get3A_325 = tpu.memref_slice %arg7[%scan3A, %get3A_323, %get3A_324] : memref<2x128x128xf32, #tpu.memory_space<vmem>> -> memref<1x128x128xf32, #tpu.memory_space<vmem>>
      %get3A_326 = tpu.memref_squeeze %get3A_325 : memref<1x128x128xf32, #tpu.memory_space<vmem>> -> memref<128x128xf32, #tpu.memory_space<vmem>>
      %get3A_327 = arith.index_cast %scan3A_228 : i32 to index
      %get3A_328 = arith.constant 80 : index
      %get3A_329 = tpu.vector_load %get3A_326[%get3A_327, %get3A_328] {strides = array<i32>} : memref<128x128xf32, #tpu.memory_space<vmem>>, vector<1x16xf32>,
      %get3A_330 = vector.shape_cast %get3A_329 : vector<1x16xf32> to vector<16xf32>
      %get3A_331 = arith.constant 0 : i32
      %get3A_332 = arith.constant 0 : i32
      %get3A_333 = tpu.memref_slice %arg8[%scan3A_75, %get3A_331, %get3A_332] : memref<2x128x128xf32, #tpu.memory_space<vmem>> -> memref<1x128x128xf32, #tpu.memory_space<vmem>>
      %get3A_334 = tpu.memref_squeeze %get3A_333 : memref<1x128x128xf32, #tpu.memory_space<vmem>> -> memref<128x128xf32, #tpu.memory_space<vmem>>
      %get3A_335 = arith.index_cast %scan3A_228 : i32 to index
      %get3A_336 = arith.constant 80 : index
      %get3A_337 = tpu.vector_load %get3A_334[%get3A_335, %get3A_336] {strides = array<i32>} : memref<128x128xf32, #tpu.memory_space<vmem>>, vector<1x16xf32>,
      %get3A_338 = vector.shape_cast %get3A_337 : vector<1x16xf32> to vector<16xf32>
      %sub3A_339 = arith.subf %get3A_330, %get3A_338 : vector<16xf32>
      %mul3A_340 = arith.mulf %sub3A_339, %sub3A_339 : vector<16xf32>
      %add3A_341 = arith.addf %add3A_322, %mul3A_340 : vector<16xf32>
      %get3A_342 = arith.constant 0 : i32
      %get3A_343 = arith.constant 0 : i32
      %get3A_344 = tpu.memref_slice %arg7[%scan3A, %get3A_342, %get3A_343] : memref<2x128x128xf32, #tpu.memory_space<vmem>> -> memref<1x128x128xf32, #tpu.memory_space<vmem>>
      %get3A_345 = tpu.memref_squeeze %get3A_344 : memref<1x128x128xf32, #tpu.memory_space<vmem>> -> memref<128x128xf32, #tpu.memory_space<vmem>>
      %get3A_346 = arith.index_cast %scan3A_228 : i32 to index
      %get3A_347 = arith.constant 96 : index
      %get3A_348 = tpu.vector_load %get3A_345[%get3A_346, %get3A_347] {strides = array<i32>} : memref<128x128xf32, #tpu.memory_space<vmem>>, vector<1x16xf32>,
      %get3A_349 = vector.shape_cast %get3A_348 : vector<1x16xf32> to vector<16xf32>
      %get3A_350 = arith.constant 0 : i32
      %get3A_351 = arith.constant 0 : i32
      %get3A_352 = tpu.memref_slice %arg8[%scan3A_75, %get3A_350, %get3A_351] : memref<2x128x128xf32, #tpu.memory_space<vmem>> -> memref<1x128x128xf32, #tpu.memory_space<vmem>>
      %get3A_353 = tpu.memref_squeeze %get3A_352 : memref<1x128x128xf32, #tpu.memory_space<vmem>> -> memref<128x128xf32, #tpu.memory_space<vmem>>
      %get3A_354 = arith.index_cast %scan3A_228 : i32 to index
      %get3A_355 = arith.constant 96 : index
      %get3A_356 = tpu.vector_load %get3A_353[%get3A_354, %get3A_355] {strides = array<i32>} : memref<128x128xf32, #tpu.memory_space<vmem>>, vector<1x16xf32>,
      %get3A_357 = vector.shape_cast %get3A_356 : vector<1x16xf32> to vector<16xf32>
      %sub3A_358 = arith.subf %get3A_349, %get3A_357 : vector<16xf32>
      %mul3A_359 = arith.mulf %sub3A_358, %sub3A_358 : vector<16xf32>
      %add3A_360 = arith.addf %add3A_341, %mul3A_359 : vector<16xf32>
      %get3A_361 = arith.constant 0 : i32
      %get3A_362 = arith.constant 0 : i32
      %get3A_363 = tpu.memref_slice %arg7[%scan3A, %get3A_361, %get3A_362] : memref<2x128x128xf32, #tpu.memory_space<vmem>> -> memref<1x128x128xf32, #tpu.memory_space<vmem>>
      %get3A_364 = tpu.memref_squeeze %get3A_363 : memref<1x128x128xf32, #tpu.memory_space<vmem>> -> memref<128x128xf32, #tpu.memory_space<vmem>>
      %get3A_365 = arith.index_cast %scan3A_228 : i32 to index
      %get3A_366 = arith.constant 112 : index
      %get3A_367 = tpu.vector_load %get3A_364[%get3A_365, %get3A_366] {strides = array<i32>} : memref<128x128xf32, #tpu.memory_space<vmem>>, vector<1x16xf32>,
      %get3A_368 = vector.shape_cast %get3A_367 : vector<1x16xf32> to vector<16xf32>
      %get3A_369 = arith.constant 0 : i32
      %get3A_370 = arith.constant 0 : i32
      %get3A_371 = tpu.memref_slice %arg8[%scan3A_75, %get3A_369, %get3A_370] : memref<2x128x128xf32, #tpu.memory_space<vmem>> -> memref<1x128x128xf32, #tpu.memory_space<vmem>>
      %get3A_372 = tpu.memref_squeeze %get3A_371 : memref<1x128x128xf32, #tpu.memory_space<vmem>> -> memref<128x128xf32, #tpu.memory_space<vmem>>
      %get3A_373 = arith.index_cast %scan3A_228 : i32 to index
      %get3A_374 = arith.constant 112 : index
      %get3A_375 = tpu.vector_load %get3A_372[%get3A_373, %get3A_374] {strides = array<i32>} : memref<128x128xf32, #tpu.memory_space<vmem>>, vector<1x16xf32>,
      %get3A_376 = vector.shape_cast %get3A_375 : vector<1x16xf32> to vector<16xf32>
      %sub3A_377 = arith.subf %get3A_368, %get3A_376 : vector<16xf32>
      %mul3A_378 = arith.mulf %sub3A_377, %sub3A_377 : vector<16xf32>
      %add3A_379 = arith.addf %add3A_360, %mul3A_378 : vector<16xf32>
      scf.yield %add3A_379 : vector<16xf32>
    }
    %scan3A_81 = arith.constant 128 : i32
    %add3A_82 = arith.constant 256 : i32
    %add3A_83 = arith.addi %mul3A_2, %add3A_82 : i32
    %dma_start3A_84 = arith.constant 0 : i32
    %dma_start3A_85 = arith.constant 0 : i32
    %dma_start3A_86 = arith.constant 0 : i32
    %dma_start3A_87 = tpu.memref_slice %arg7[%dma_start3A_84, %dma_start3A_85, %dma_start3A_86] : memref<2x128x128xf32, #tpu.memory_space<vmem>> -> memref<1x128x128xf32, #tpu.memory_space<vmem>>
    %dma_start3A_88 = tpu.memref_squeeze %dma_start3A_87 : memref<1x128x128xf32, #tpu.memory_space<vmem>> -> memref<128x128xf32, #tpu.memory_space<vmem>>
    %dma_start3A_89 = arith.constant 0 : i32
    %dma_start3A_90 = tpu.memref_slice %arg2[%add3A_83, %dma_start3A_89] : memref<16384x128xf32, #tpu.memory_space<hbm>> -> memref<128x128xf32, #tpu.memory_space<hbm>>
    %dma_start3A_91 = arith.constant 0 : i32
    %dma_start3A_92 = arith.constant 0 : i32
    %dma_start3A_93 = tpu.memref_slice %arg7[%dma_start3A_84, %dma_start3A_91, %dma_start3A_92] : memref<2x128x128xf32, #tpu.memory_space<vmem>> -> memref<1x128x128xf32, #tpu.memory_space<vmem>>
    %dma_start3A_94 = tpu.memref_squeeze %dma_start3A_93 : memref<1x128x128xf32, #tpu.memory_space<vmem>> -> memref<128x128xf32, #tpu.memory_space<vmem>>
    %dma_start3A_95 = arith.constant 0 : i32
    %dma_start3A_96 = tpu.memref_slice %arg2[%add3A_83, %dma_start3A_95] : memref<16384x128xf32, #tpu.memory_space<hbm>> -> memref<128x128xf32, #tpu.memory_space<hbm>>
    tpu.enqueue_dma source(%dma_start3A_96 : memref<128x128xf32, #tpu.memory_space<hbm>>) target(%dma_start3A_94 : memref<128x128xf32, #tpu.memory_space<vmem>>) target_semaphore(%arg10 : memref<!tpu.dma_semaphore, #tpu.memory_space<semaphore_mem>>)
    %dma_start3A_97 = arith.constant 0 : i32
    %dma_start3A_98 = arith.constant 0 : i32
    %dma_start3A_99 = arith.constant 0 : i32
    %dma_start3A_100 = tpu.memref_slice %arg8[%dma_start3A_97, %dma_start3A_98, %dma_start3A_99] : memref<2x128x128xf32, #tpu.memory_space<vmem>> -> memref<1x128x128xf32, #tpu.memory_space<vmem>>
    %dma_start3A_101 = tpu.memref_squeeze %dma_start3A_100 : memref<1x128x128xf32, #tpu.memory_space<vmem>> -> memref<128x128xf32, #tpu.memory_space<vmem>>
    %dma_start3A_102 = arith.constant 256 : i32
    %dma_start3A_103 = tpu.memref_slice %arg6[%dma_start3A_102] : memref<512xi32, #tpu.memory_space<vmem>> -> memref<128xi32, #tpu.memory_space<vmem>>
    %dma_start3A_104 = arith.constant 0 : i32
    %dma_start3A_105 = arith.constant 0 : i32
    %dma_start3A_106 = tpu.memref_slice %arg4[%dma_start3A_104, %dma_start3A_105] : memref<100000x128xf32, #tpu.memory_space<hbm>> -> memref<100000x128xf32, #tpu.memory_space<hbm>>
    tpu.enqueue_indirect_dma source(%dma_start3A_106 : memref<100000x128xf32, #tpu.memory_space<hbm>>) target(%dma_start3A_101 : memref<128x128xf32, #tpu.memory_space<vmem>>) offsets(%dma_start3A_103 : memref<128xi32, #tpu.memory_space<vmem>>) semaphore(%arg12 : memref<!tpu.dma_semaphore, #tpu.memory_space<semaphore_mem>>)
    %dma_wait3A_107 = arith.constant 1 : i32
    %dma_wait3A_108 = arith.constant 0 : i32
    %dma_wait3A_109 = arith.constant 0 : i32
    %dma_wait3A_110 = tpu.memref_slice %arg7[%dma_wait3A_107, %dma_wait3A_108, %dma_wait3A_109] : memref<2x128x128xf32, #tpu.memory_space<vmem>> -> memref<1x128x128xf32, #tpu.memory_space<vmem>>
    %dma_wait3A_111 = tpu.memref_squeeze %dma_wait3A_110 : memref<1x128x128xf32, #tpu.memory_space<vmem>> -> memref<128x128xf32, #tpu.memory_space<vmem>>
    %dma_wait3A_112 = arith.constant 0 : i32
    %dma_wait3A_113 = tpu.memref_slice %arg2[%add3A_29, %dma_wait3A_112] : memref<16384x128xf32, #tpu.memory_space<hbm>> -> memref<128x128xf32, #tpu.memory_space<hbm>>
    %dma_wait3A_114 = arith.constant 0 : i32
    %dma_wait3A_115 = arith.constant 0 : i32
    %dma_wait3A_116 = tpu.memref_slice %arg7[%dma_wait3A_107, %dma_wait3A_114, %dma_wait3A_115] : memref<2x128x128xf32, #tpu.memory_space<vmem>> -> memref<1x128x128xf32, #tpu.memory_space<vmem>>
    %dma_wait3A_117 = tpu.memref_squeeze %dma_wait3A_116 : memref<1x128x128xf32, #tpu.memory_space<vmem>> -> memref<128x128xf32, #tpu.memory_space<vmem>>
    %dma_wait3A_118 = arith.constant 0 : i32
    %dma_wait3A_119 = tpu.memref_slice %arg2[%add3A_29, %dma_wait3A_118] : memref<16384x128xf32, #tpu.memory_space<hbm>> -> memref<128x128xf32, #tpu.memory_space<hbm>>
    tpu.wait_dma2 semaphore(%arg11 : memref<!tpu.dma_semaphore, #tpu.memory_space<semaphore_mem>>) src(%dma_wait3A_119 : memref<128x128xf32, #tpu.memory_space<hbm>>) dst(%dma_wait3A_117 : memref<128x128xf32, #tpu.memory_space<vmem>>)
    %dma_wait3A_120 = arith.constant 1 : i32
    %dma_wait3A_121 = arith.constant 0 : i32
    %dma_wait3A_122 = arith.constant 0 : i32
    %dma_wait3A_123 = tpu.memref_slice %arg8[%dma_wait3A_120, %dma_wait3A_121, %dma_wait3A_122] : memref<2x128x128xf32, #tpu.memory_space<vmem>> -> memref<1x128x128xf32, #tpu.memory_space<vmem>>
    %dma_wait3A_124 = tpu.memref_squeeze %dma_wait3A_123 : memref<1x128x128xf32, #tpu.memory_space<vmem>> -> memref<128x128xf32, #tpu.memory_space<vmem>>
    %dma_wait3A_125 = arith.constant 128 : i32
    %dma_wait3A_126 = tpu.memref_slice %arg6[%dma_wait3A_125] : memref<512xi32, #tpu.memory_space<vmem>> -> memref<128xi32, #tpu.memory_space<vmem>>
    %dma_wait3A_127 = arith.constant 0 : i32
    %dma_wait3A_128 = arith.constant 0 : i32
    %dma_wait3A_129 = tpu.memref_slice %arg4[%dma_wait3A_127, %dma_wait3A_128] : memref<100000x128xf32, #tpu.memory_space<hbm>> -> memref<100000x128xf32, #tpu.memory_space<hbm>>
    tpu.wait_indirect_dma semaphore(%arg13 : memref<!tpu.dma_semaphore, #tpu.memory_space<semaphore_mem>>) src(%dma_wait3A_129 : memref<100000x128xf32, #tpu.memory_space<hbm>>) dst(%dma_wait3A_124 : memref<128x128xf32, #tpu.memory_space<vmem>>)
    %scan3A_130 = arith.constant 1 : i32
    %scan3A_131 = arith.constant 1 : i32
    %scan3A_132 = arith.constant 0 : i32
    %scan3A_133 = arith.constant 128 : i32
    %scan3A_134 = arith.addi %scan3A_132, %scan3A_133 : i32
    %scan3A_135 = arith.constant 1 : i32
    %scan3A_136 = scf.for %scan3A_228 = %scan3A_132 to %scan3A_134 step %scan3A_135 iter_args(%scan3A_229 = %scan3A_80) -> (vector<16xf32>)  : i32 {
      %get3A = arith.constant 0 : i32
      %get3A_230 = arith.constant 0 : i32
      %get3A_231 = tpu.memref_slice %arg7[%scan3A_130, %get3A, %get3A_230] : memref<2x128x128xf32, #tpu.memory_space<vmem>> -> memref<1x128x128xf32, #tpu.memory_space<vmem>>
      %get3A_232 = tpu.memref_squeeze %get3A_231 : memref<1x128x128xf32, #tpu.memory_space<vmem>> -> memref<128x128xf32, #tpu.memory_space<vmem>>
      %get3A_233 = arith.index_cast %scan3A_228 : i32 to index
      %get3A_234 = arith.constant 0 : index
      %get3A_235 = tpu.vector_load %get3A_232[%get3A_233, %get3A_234] {strides = array<i32>} : memref<128x128xf32, #tpu.memory_space<vmem>>, vector<1x16xf32>,
      %get3A_236 = vector.shape_cast %get3A_235 : vector<1x16xf32> to vector<16xf32>
      %get3A_237 = arith.constant 0 : i32
      %get3A_238 = arith.constant 0 : i32
      %get3A_239 = tpu.memref_slice %arg8[%scan3A_131, %get3A_237, %get3A_238] : memref<2x128x128xf32, #tpu.memory_space<vmem>> -> memref<1x128x128xf32, #tpu.memory_space<vmem>>
      %get3A_240 = tpu.memref_squeeze %get3A_239 : memref<1x128x128xf32, #tpu.memory_space<vmem>> -> memref<128x128xf32, #tpu.memory_space<vmem>>
      %get3A_241 = arith.index_cast %scan3A_228 : i32 to index
      %get3A_242 = arith.constant 0 : index
      %get3A_243 = tpu.vector_load %get3A_240[%get3A_241, %get3A_242] {strides = array<i32>} : memref<128x128xf32, #tpu.memory_space<vmem>>, vector<1x16xf32>,
      %get3A_244 = vector.shape_cast %get3A_243 : vector<1x16xf32> to vector<16xf32>
      %sub3A = arith.subf %get3A_236, %get3A_244 : vector<16xf32>
      %mul3A_245 = arith.mulf %sub3A, %sub3A : vector<16xf32>
      %add3A_246 = arith.addf %scan3A_229, %mul3A_245 : vector<16xf32>
      %get3A_247 = arith.constant 0 : i32
      %get3A_248 = arith.constant 0 : i32
      %get3A_249 = tpu.memref_slice %arg7[%scan3A_130, %get3A_247, %get3A_248] : memref<2x128x128xf32, #tpu.memory_space<vmem>> -> memref<1x128x128xf32, #tpu.memory_space<vmem>>
      %get3A_250 = tpu.memref_squeeze %get3A_249 : memref<1x128x128xf32, #tpu.memory_space<vmem>> -> memref<128x128xf32, #tpu.memory_space<vmem>>
      %get3A_251 = arith.index_cast %scan3A_228 : i32 to index
      %get3A_252 = arith.constant 16 : index
      %get3A_253 = tpu.vector_load %get3A_250[%get3A_251, %get3A_252] {strides = array<i32>} : memref<128x128xf32, #tpu.memory_space<vmem>>, vector<1x16xf32>,
      %get3A_254 = vector.shape_cast %get3A_253 : vector<1x16xf32> to vector<16xf32>
      %get3A_255 = arith.constant 0 : i32
      %get3A_256 = arith.constant 0 : i32
      %get3A_257 = tpu.memref_slice %arg8[%scan3A_131, %get3A_255, %get3A_256] : memref<2x128x128xf32, #tpu.memory_space<vmem>> -> memref<1x128x128xf32, #tpu.memory_space<vmem>>
      %get3A_258 = tpu.memref_squeeze %get3A_257 : memref<1x128x128xf32, #tpu.memory_space<vmem>> -> memref<128x128xf32, #tpu.memory_space<vmem>>
      %get3A_259 = arith.index_cast %scan3A_228 : i32 to index
      %get3A_260 = arith.constant 16 : index
      %get3A_261 = tpu.vector_load %get3A_258[%get3A_259, %get3A_260] {strides = array<i32>} : memref<128x128xf32, #tpu.memory_space<vmem>>, vector<1x16xf32>,
      %get3A_262 = vector.shape_cast %get3A_261 : vector<1x16xf32> to vector<16xf32>
      %sub3A_263 = arith.subf %get3A_254, %get3A_262 : vector<16xf32>
      %mul3A_264 = arith.mulf %sub3A_263, %sub3A_263 : vector<16xf32>
      %add3A_265 = arith.addf %add3A_246, %mul3A_264 : vector<16xf32>
      %get3A_266 = arith.constant 0 : i32
      %get3A_267 = arith.constant 0 : i32
      %get3A_268 = tpu.memref_slice %arg7[%scan3A_130, %get3A_266, %get3A_267] : memref<2x128x128xf32, #tpu.memory_space<vmem>> -> memref<1x128x128xf32, #tpu.memory_space<vmem>>
      %get3A_269 = tpu.memref_squeeze %get3A_268 : memref<1x128x128xf32, #tpu.memory_space<vmem>> -> memref<128x128xf32, #tpu.memory_space<vmem>>
      %get3A_270 = arith.index_cast %scan3A_228 : i32 to index
      %get3A_271 = arith.constant 32 : index
      %get3A_272 = tpu.vector_load %get3A_269[%get3A_270, %get3A_271] {strides = array<i32>} : memref<128x128xf32, #tpu.memory_space<vmem>>, vector<1x16xf32>,
      %get3A_273 = vector.shape_cast %get3A_272 : vector<1x16xf32> to vector<16xf32>
      %get3A_274 = arith.constant 0 : i32
      %get3A_275 = arith.constant 0 : i32
      %get3A_276 = tpu.memref_slice %arg8[%scan3A_131, %get3A_274, %get3A_275] : memref<2x128x128xf32, #tpu.memory_space<vmem>> -> memref<1x128x128xf32, #tpu.memory_space<vmem>>
      %get3A_277 = tpu.memref_squeeze %get3A_276 : memref<1x128x128xf32, #tpu.memory_space<vmem>> -> memref<128x128xf32, #tpu.memory_space<vmem>>
      %get3A_278 = arith.index_cast %scan3A_228 : i32 to index
      %get3A_279 = arith.constant 32 : index
      %get3A_280 = tpu.vector_load %get3A_277[%get3A_278, %get3A_279] {strides = array<i32>} : memref<128x128xf32, #tpu.memory_space<vmem>>, vector<1x16xf32>,
      %get3A_281 = vector.shape_cast %get3A_280 : vector<1x16xf32> to vector<16xf32>
      %sub3A_282 = arith.subf %get3A_273, %get3A_281 : vector<16xf32>
      %mul3A_283 = arith.mulf %sub3A_282, %sub3A_282 : vector<16xf32>
      %add3A_284 = arith.addf %add3A_265, %mul3A_283 : vector<16xf32>
      %get3A_285 = arith.constant 0 : i32
      %get3A_286 = arith.constant 0 : i32
      %get3A_287 = tpu.memref_slice %arg7[%scan3A_130, %get3A_285, %get3A_286] : memref<2x128x128xf32, #tpu.memory_space<vmem>> -> memref<1x128x128xf32, #tpu.memory_space<vmem>>
      %get3A_288 = tpu.memref_squeeze %get3A_287 : memref<1x128x128xf32, #tpu.memory_space<vmem>> -> memref<128x128xf32, #tpu.memory_space<vmem>>
      %get3A_289 = arith.index_cast %scan3A_228 : i32 to index
      %get3A_290 = arith.constant 48 : index
      %get3A_291 = tpu.vector_load %get3A_288[%get3A_289, %get3A_290] {strides = array<i32>} : memref<128x128xf32, #tpu.memory_space<vmem>>, vector<1x16xf32>,
      %get3A_292 = vector.shape_cast %get3A_291 : vector<1x16xf32> to vector<16xf32>
      %get3A_293 = arith.constant 0 : i32
      %get3A_294 = arith.constant 0 : i32
      %get3A_295 = tpu.memref_slice %arg8[%scan3A_131, %get3A_293, %get3A_294] : memref<2x128x128xf32, #tpu.memory_space<vmem>> -> memref<1x128x128xf32, #tpu.memory_space<vmem>>
      %get3A_296 = tpu.memref_squeeze %get3A_295 : memref<1x128x128xf32, #tpu.memory_space<vmem>> -> memref<128x128xf32, #tpu.memory_space<vmem>>
      %get3A_297 = arith.index_cast %scan3A_228 : i32 to index
      %get3A_298 = arith.constant 48 : index
      %get3A_299 = tpu.vector_load %get3A_296[%get3A_297, %get3A_298] {strides = array<i32>} : memref<128x128xf32, #tpu.memory_space<vmem>>, vector<1x16xf32>,
      %get3A_300 = vector.shape_cast %get3A_299 : vector<1x16xf32> to vector<16xf32>
      %sub3A_301 = arith.subf %get3A_292, %get3A_300 : vector<16xf32>
      %mul3A_302 = arith.mulf %sub3A_301, %sub3A_301 : vector<16xf32>
      %add3A_303 = arith.addf %add3A_284, %mul3A_302 : vector<16xf32>
      %get3A_304 = arith.constant 0 : i32
      %get3A_305 = arith.constant 0 : i32
      %get3A_306 = tpu.memref_slice %arg7[%scan3A_130, %get3A_304, %get3A_305] : memref<2x128x128xf32, #tpu.memory_space<vmem>> -> memref<1x128x128xf32, #tpu.memory_space<vmem>>
      %get3A_307 = tpu.memref_squeeze %get3A_306 : memref<1x128x128xf32, #tpu.memory_space<vmem>> -> memref<128x128xf32, #tpu.memory_space<vmem>>
      %get3A_308 = arith.index_cast %scan3A_228 : i32 to index
      %get3A_309 = arith.constant 64 : index
      %get3A_310 = tpu.vector_load %get3A_307[%get3A_308, %get3A_309] {strides = array<i32>} : memref<128x128xf32, #tpu.memory_space<vmem>>, vector<1x16xf32>,
      %get3A_311 = vector.shape_cast %get3A_310 : vector<1x16xf32> to vector<16xf32>
      %get3A_312 = arith.constant 0 : i32
      %get3A_313 = arith.constant 0 : i32
      %get3A_314 = tpu.memref_slice %arg8[%scan3A_131, %get3A_312, %get3A_313] : memref<2x128x128xf32, #tpu.memory_space<vmem>> -> memref<1x128x128xf32, #tpu.memory_space<vmem>>
      %get3A_315 = tpu.memref_squeeze %get3A_314 : memref<1x128x128xf32, #tpu.memory_space<vmem>> -> memref<128x128xf32, #tpu.memory_space<vmem>>
      %get3A_316 = arith.index_cast %scan3A_228 : i32 to index
      %get3A_317 = arith.constant 64 : index
      %get3A_318 = tpu.vector_load %get3A_315[%get3A_316, %get3A_317] {strides = array<i32>} : memref<128x128xf32, #tpu.memory_space<vmem>>, vector<1x16xf32>,
      %get3A_319 = vector.shape_cast %get3A_318 : vector<1x16xf32> to vector<16xf32>
      %sub3A_320 = arith.subf %get3A_311, %get3A_319 : vector<16xf32>
      %mul3A_321 = arith.mulf %sub3A_320, %sub3A_320 : vector<16xf32>
      %add3A_322 = arith.addf %add3A_303, %mul3A_321 : vector<16xf32>
      %get3A_323 = arith.constant 0 : i32
      %get3A_324 = arith.constant 0 : i32
      %get3A_325 = tpu.memref_slice %arg7[%scan3A_130, %get3A_323, %get3A_324] : memref<2x128x128xf32, #tpu.memory_space<vmem>> -> memref<1x128x128xf32, #tpu.memory_space<vmem>>
      %get3A_326 = tpu.memref_squeeze %get3A_325 : memref<1x128x128xf32, #tpu.memory_space<vmem>> -> memref<128x128xf32, #tpu.memory_space<vmem>>
      %get3A_327 = arith.index_cast %scan3A_228 : i32 to index
      %get3A_328 = arith.constant 80 : index
      %get3A_329 = tpu.vector_load %get3A_326[%get3A_327, %get3A_328] {strides = array<i32>} : memref<128x128xf32, #tpu.memory_space<vmem>>, vector<1x16xf32>,
      %get3A_330 = vector.shape_cast %get3A_329 : vector<1x16xf32> to vector<16xf32>
      %get3A_331 = arith.constant 0 : i32
      %get3A_332 = arith.constant 0 : i32
      %get3A_333 = tpu.memref_slice %arg8[%scan3A_131, %get3A_331, %get3A_332] : memref<2x128x128xf32, #tpu.memory_space<vmem>> -> memref<1x128x128xf32, #tpu.memory_space<vmem>>
      %get3A_334 = tpu.memref_squeeze %get3A_333 : memref<1x128x128xf32, #tpu.memory_space<vmem>> -> memref<128x128xf32, #tpu.memory_space<vmem>>
      %get3A_335 = arith.index_cast %scan3A_228 : i32 to index
      %get3A_336 = arith.constant 80 : index
      %get3A_337 = tpu.vector_load %get3A_334[%get3A_335, %get3A_336] {strides = array<i32>} : memref<128x128xf32, #tpu.memory_space<vmem>>, vector<1x16xf32>,
      %get3A_338 = vector.shape_cast %get3A_337 : vector<1x16xf32> to vector<16xf32>
      %sub3A_339 = arith.subf %get3A_330, %get3A_338 : vector<16xf32>
      %mul3A_340 = arith.mulf %sub3A_339, %sub3A_339 : vector<16xf32>
      %add3A_341 = arith.addf %add3A_322, %mul3A_340 : vector<16xf32>
      %get3A_342 = arith.constant 0 : i32
      %get3A_343 = arith.constant 0 : i32
      %get3A_344 = tpu.memref_slice %arg7[%scan3A_130, %get3A_342, %get3A_343] : memref<2x128x128xf32, #tpu.memory_space<vmem>> -> memref<1x128x128xf32, #tpu.memory_space<vmem>>
      %get3A_345 = tpu.memref_squeeze %get3A_344 : memref<1x128x128xf32, #tpu.memory_space<vmem>> -> memref<128x128xf32, #tpu.memory_space<vmem>>
      %get3A_346 = arith.index_cast %scan3A_228 : i32 to index
      %get3A_347 = arith.constant 96 : index
      %get3A_348 = tpu.vector_load %get3A_345[%get3A_346, %get3A_347] {strides = array<i32>} : memref<128x128xf32, #tpu.memory_space<vmem>>, vector<1x16xf32>,
      %get3A_349 = vector.shape_cast %get3A_348 : vector<1x16xf32> to vector<16xf32>
      %get3A_350 = arith.constant 0 : i32
      %get3A_351 = arith.constant 0 : i32
      %get3A_352 = tpu.memref_slice %arg8[%scan3A_131, %get3A_350, %get3A_351] : memref<2x128x128xf32, #tpu.memory_space<vmem>> -> memref<1x128x128xf32, #tpu.memory_space<vmem>>
      %get3A_353 = tpu.memref_squeeze %get3A_352 : memref<1x128x128xf32, #tpu.memory_space<vmem>> -> memref<128x128xf32, #tpu.memory_space<vmem>>
      %get3A_354 = arith.index_cast %scan3A_228 : i32 to index
      %get3A_355 = arith.constant 96 : index
      %get3A_356 = tpu.vector_load %get3A_353[%get3A_354, %get3A_355] {strides = array<i32>} : memref<128x128xf32, #tpu.memory_space<vmem>>, vector<1x16xf32>,
      %get3A_357 = vector.shape_cast %get3A_356 : vector<1x16xf32> to vector<16xf32>
      %sub3A_358 = arith.subf %get3A_349, %get3A_357 : vector<16xf32>
      %mul3A_359 = arith.mulf %sub3A_358, %sub3A_358 : vector<16xf32>
      %add3A_360 = arith.addf %add3A_341, %mul3A_359 : vector<16xf32>
      %get3A_361 = arith.constant 0 : i32
      %get3A_362 = arith.constant 0 : i32
      %get3A_363 = tpu.memref_slice %arg7[%scan3A_130, %get3A_361, %get3A_362] : memref<2x128x128xf32, #tpu.memory_space<vmem>> -> memref<1x128x128xf32, #tpu.memory_space<vmem>>
      %get3A_364 = tpu.memref_squeeze %get3A_363 : memref<1x128x128xf32, #tpu.memory_space<vmem>> -> memref<128x128xf32, #tpu.memory_space<vmem>>
      %get3A_365 = arith.index_cast %scan3A_228 : i32 to index
      %get3A_366 = arith.constant 112 : index
      %get3A_367 = tpu.vector_load %get3A_364[%get3A_365, %get3A_366] {strides = array<i32>} : memref<128x128xf32, #tpu.memory_space<vmem>>, vector<1x16xf32>,
      %get3A_368 = vector.shape_cast %get3A_367 : vector<1x16xf32> to vector<16xf32>
      %get3A_369 = arith.constant 0 : i32
      %get3A_370 = arith.constant 0 : i32
      %get3A_371 = tpu.memref_slice %arg8[%scan3A_131, %get3A_369, %get3A_370] : memref<2x128x128xf32, #tpu.memory_space<vmem>> -> memref<1x128x128xf32, #tpu.memory_space<vmem>>
      %get3A_372 = tpu.memref_squeeze %get3A_371 : memref<1x128x128xf32, #tpu.memory_space<vmem>> -> memref<128x128xf32, #tpu.memory_space<vmem>>
      %get3A_373 = arith.index_cast %scan3A_228 : i32 to index
      %get3A_374 = arith.constant 112 : index
      %get3A_375 = tpu.vector_load %get3A_372[%get3A_373, %get3A_374] {strides = array<i32>} : memref<128x128xf32, #tpu.memory_space<vmem>>, vector<1x16xf32>,
      %get3A_376 = vector.shape_cast %get3A_375 : vector<1x16xf32> to vector<16xf32>
      %sub3A_377 = arith.subf %get3A_368, %get3A_376 : vector<16xf32>
      %mul3A_378 = arith.mulf %sub3A_377, %sub3A_377 : vector<16xf32>
      %add3A_379 = arith.addf %add3A_360, %mul3A_378 : vector<16xf32>
      scf.yield %add3A_379 : vector<16xf32>
    }
    %scan3A_137 = arith.constant 128 : i32
    %add3A_138 = arith.constant 384 : i32
    %add3A_139 = arith.addi %mul3A_2, %add3A_138 : i32
    %dma_start3A_140 = arith.constant 1 : i32
    %dma_start3A_141 = arith.constant 0 : i32
    %dma_start3A_142 = arith.constant 0 : i32
    %dma_start3A_143 = tpu.memref_slice %arg7[%dma_start3A_140, %dma_start3A_141, %dma_start3A_142] : memref<2x128x128xf32, #tpu.memory_space<vmem>> -> memref<1x128x128xf32, #tpu.memory_space<vmem>>
    %dma_start3A_144 = tpu.memref_squeeze %dma_start3A_143 : memref<1x128x128xf32, #tpu.memory_space<vmem>> -> memref<128x128xf32, #tpu.memory_space<vmem>>
    %dma_start3A_145 = arith.constant 0 : i32
    %dma_start3A_146 = tpu.memref_slice %arg2[%add3A_139, %dma_start3A_145] : memref<16384x128xf32, #tpu.memory_space<hbm>> -> memref<128x128xf32, #tpu.memory_space<hbm>>
    %dma_start3A_147 = arith.constant 0 : i32
    %dma_start3A_148 = arith.constant 0 : i32
    %dma_start3A_149 = tpu.memref_slice %arg7[%dma_start3A_140, %dma_start3A_147, %dma_start3A_148] : memref<2x128x128xf32, #tpu.memory_space<vmem>> -> memref<1x128x128xf32, #tpu.memory_space<vmem>>
    %dma_start3A_150 = tpu.memref_squeeze %dma_start3A_149 : memref<1x128x128xf32, #tpu.memory_space<vmem>> -> memref<128x128xf32, #tpu.memory_space<vmem>>
    %dma_start3A_151 = arith.constant 0 : i32
    %dma_start3A_152 = tpu.memref_slice %arg2[%add3A_139, %dma_start3A_151] : memref<16384x128xf32, #tpu.memory_space<hbm>> -> memref<128x128xf32, #tpu.memory_space<hbm>>
    tpu.enqueue_dma source(%dma_start3A_152 : memref<128x128xf32, #tpu.memory_space<hbm>>) target(%dma_start3A_150 : memref<128x128xf32, #tpu.memory_space<vmem>>) target_semaphore(%arg11 : memref<!tpu.dma_semaphore, #tpu.memory_space<semaphore_mem>>)
    %dma_start3A_153 = arith.constant 1 : i32
    %dma_start3A_154 = arith.constant 0 : i32
    %dma_start3A_155 = arith.constant 0 : i32
    %dma_start3A_156 = tpu.memref_slice %arg8[%dma_start3A_153, %dma_start3A_154, %dma_start3A_155] : memref<2x128x128xf32, #tpu.memory_space<vmem>> -> memref<1x128x128xf32, #tpu.memory_space<vmem>>
    %dma_start3A_157 = tpu.memref_squeeze %dma_start3A_156 : memref<1x128x128xf32, #tpu.memory_space<vmem>> -> memref<128x128xf32, #tpu.memory_space<vmem>>
    %dma_start3A_158 = arith.constant 384 : i32
    %dma_start3A_159 = tpu.memref_slice %arg6[%dma_start3A_158] : memref<512xi32, #tpu.memory_space<vmem>> -> memref<128xi32, #tpu.memory_space<vmem>>
    %dma_start3A_160 = arith.constant 0 : i32
    %dma_start3A_161 = arith.constant 0 : i32
    %dma_start3A_162 = tpu.memref_slice %arg4[%dma_start3A_160, %dma_start3A_161] : memref<100000x128xf32, #tpu.memory_space<hbm>> -> memref<100000x128xf32, #tpu.memory_space<hbm>>
    tpu.enqueue_indirect_dma source(%dma_start3A_162 : memref<100000x128xf32, #tpu.memory_space<hbm>>) target(%dma_start3A_157 : memref<128x128xf32, #tpu.memory_space<vmem>>) offsets(%dma_start3A_159 : memref<128xi32, #tpu.memory_space<vmem>>) semaphore(%arg13 : memref<!tpu.dma_semaphore, #tpu.memory_space<semaphore_mem>>)
    %dma_wait3A_163 = arith.constant 0 : i32
    %dma_wait3A_164 = arith.constant 0 : i32
    %dma_wait3A_165 = arith.constant 0 : i32
    %dma_wait3A_166 = tpu.memref_slice %arg7[%dma_wait3A_163, %dma_wait3A_164, %dma_wait3A_165] : memref<2x128x128xf32, #tpu.memory_space<vmem>> -> memref<1x128x128xf32, #tpu.memory_space<vmem>>
    %dma_wait3A_167 = tpu.memref_squeeze %dma_wait3A_166 : memref<1x128x128xf32, #tpu.memory_space<vmem>> -> memref<128x128xf32, #tpu.memory_space<vmem>>
    %dma_wait3A_168 = arith.constant 0 : i32
    %dma_wait3A_169 = tpu.memref_slice %arg2[%add3A_83, %dma_wait3A_168] : memref<16384x128xf32, #tpu.memory_space<hbm>> -> memref<128x128xf32, #tpu.memory_space<hbm>>
    %dma_wait3A_170 = arith.constant 0 : i32
    %dma_wait3A_171 = arith.constant 0 : i32
    %dma_wait3A_172 = tpu.memref_slice %arg7[%dma_wait3A_163, %dma_wait3A_170, %dma_wait3A_171] : memref<2x128x128xf32, #tpu.memory_space<vmem>> -> memref<1x128x128xf32, #tpu.memory_space<vmem>>
    %dma_wait3A_173 = tpu.memref_squeeze %dma_wait3A_172 : memref<1x128x128xf32, #tpu.memory_space<vmem>> -> memref<128x128xf32, #tpu.memory_space<vmem>>
    %dma_wait3A_174 = arith.constant 0 : i32
    %dma_wait3A_175 = tpu.memref_slice %arg2[%add3A_83, %dma_wait3A_174] : memref<16384x128xf32, #tpu.memory_space<hbm>> -> memref<128x128xf32, #tpu.memory_space<hbm>>
    tpu.wait_dma2 semaphore(%arg10 : memref<!tpu.dma_semaphore, #tpu.memory_space<semaphore_mem>>) src(%dma_wait3A_175 : memref<128x128xf32, #tpu.memory_space<hbm>>) dst(%dma_wait3A_173 : memref<128x128xf32, #tpu.memory_space<vmem>>)
    %dma_wait3A_176 = arith.constant 0 : i32
    %dma_wait3A_177 = arith.constant 0 : i32
    %dma_wait3A_178 = arith.constant 0 : i32
    %dma_wait3A_179 = tpu.memref_slice %arg8[%dma_wait3A_176, %dma_wait3A_177, %dma_wait3A_178] : memref<2x128x128xf32, #tpu.memory_space<vmem>> -> memref<1x128x128xf32, #tpu.memory_space<vmem>>
    %dma_wait3A_180 = tpu.memref_squeeze %dma_wait3A_179 : memref<1x128x128xf32, #tpu.memory_space<vmem>> -> memref<128x128xf32, #tpu.memory_space<vmem>>
    %dma_wait3A_181 = arith.constant 256 : i32
    %dma_wait3A_182 = tpu.memref_slice %arg6[%dma_wait3A_181] : memref<512xi32, #tpu.memory_space<vmem>> -> memref<128xi32, #tpu.memory_space<vmem>>
    %dma_wait3A_183 = arith.constant 0 : i32
    %dma_wait3A_184 = arith.constant 0 : i32
    %dma_wait3A_185 = tpu.memref_slice %arg4[%dma_wait3A_183, %dma_wait3A_184] : memref<100000x128xf32, #tpu.memory_space<hbm>> -> memref<100000x128xf32, #tpu.memory_space<hbm>>
    tpu.wait_indirect_dma semaphore(%arg12 : memref<!tpu.dma_semaphore, #tpu.memory_space<semaphore_mem>>) src(%dma_wait3A_185 : memref<100000x128xf32, #tpu.memory_space<hbm>>) dst(%dma_wait3A_180 : memref<128x128xf32, #tpu.memory_space<vmem>>)
    %scan3A_186 = arith.constant 0 : i32
    %scan3A_187 = arith.constant 0 : i32
    %scan3A_188 = arith.constant 0 : i32
    %scan3A_189 = arith.constant 128 : i32
    %scan3A_190 = arith.addi %scan3A_188, %scan3A_189 : i32
    %scan3A_191 = arith.constant 1 : i32
    %scan3A_192 = scf.for %scan3A_228 = %scan3A_188 to %scan3A_190 step %scan3A_191 iter_args(%scan3A_229 = %scan3A_136) -> (vector<16xf32>)  : i32 {
      %get3A = arith.constant 0 : i32
      %get3A_230 = arith.constant 0 : i32
      %get3A_231 = tpu.memref_slice %arg7[%scan3A_186, %get3A, %get3A_230] : memref<2x128x128xf32, #tpu.memory_space<vmem>> -> memref<1x128x128xf32, #tpu.memory_space<vmem>>
      %get3A_232 = tpu.memref_squeeze %get3A_231 : memref<1x128x128xf32, #tpu.memory_space<vmem>> -> memref<128x128xf32, #tpu.memory_space<vmem>>
      %get3A_233 = arith.index_cast %scan3A_228 : i32 to index
      %get3A_234 = arith.constant 0 : index
      %get3A_235 = tpu.vector_load %get3A_232[%get3A_233, %get3A_234] {strides = array<i32>} : memref<128x128xf32, #tpu.memory_space<vmem>>, vector<1x16xf32>,
      %get3A_236 = vector.shape_cast %get3A_235 : vector<1x16xf32> to vector<16xf32>
      %get3A_237 = arith.constant 0 : i32
      %get3A_238 = arith.constant 0 : i32
      %get3A_239 = tpu.memref_slice %arg8[%scan3A_187, %get3A_237, %get3A_238] : memref<2x128x128xf32, #tpu.memory_space<vmem>> -> memref<1x128x128xf32, #tpu.memory_space<vmem>>
      %get3A_240 = tpu.memref_squeeze %get3A_239 : memref<1x128x128xf32, #tpu.memory_space<vmem>> -> memref<128x128xf32, #tpu.memory_space<vmem>>
      %get3A_241 = arith.index_cast %scan3A_228 : i32 to index
      %get3A_242 = arith.constant 0 : index
      %get3A_243 = tpu.vector_load %get3A_240[%get3A_241, %get3A_242] {strides = array<i32>} : memref<128x128xf32, #tpu.memory_space<vmem>>, vector<1x16xf32>,
      %get3A_244 = vector.shape_cast %get3A_243 : vector<1x16xf32> to vector<16xf32>
      %sub3A = arith.subf %get3A_236, %get3A_244 : vector<16xf32>
      %mul3A_245 = arith.mulf %sub3A, %sub3A : vector<16xf32>
      %add3A_246 = arith.addf %scan3A_229, %mul3A_245 : vector<16xf32>
      %get3A_247 = arith.constant 0 : i32
      %get3A_248 = arith.constant 0 : i32
      %get3A_249 = tpu.memref_slice %arg7[%scan3A_186, %get3A_247, %get3A_248] : memref<2x128x128xf32, #tpu.memory_space<vmem>> -> memref<1x128x128xf32, #tpu.memory_space<vmem>>
      %get3A_250 = tpu.memref_squeeze %get3A_249 : memref<1x128x128xf32, #tpu.memory_space<vmem>> -> memref<128x128xf32, #tpu.memory_space<vmem>>
      %get3A_251 = arith.index_cast %scan3A_228 : i32 to index
      %get3A_252 = arith.constant 16 : index
      %get3A_253 = tpu.vector_load %get3A_250[%get3A_251, %get3A_252] {strides = array<i32>} : memref<128x128xf32, #tpu.memory_space<vmem>>, vector<1x16xf32>,
      %get3A_254 = vector.shape_cast %get3A_253 : vector<1x16xf32> to vector<16xf32>
      %get3A_255 = arith.constant 0 : i32
      %get3A_256 = arith.constant 0 : i32
      %get3A_257 = tpu.memref_slice %arg8[%scan3A_187, %get3A_255, %get3A_256] : memref<2x128x128xf32, #tpu.memory_space<vmem>> -> memref<1x128x128xf32, #tpu.memory_space<vmem>>
      %get3A_258 = tpu.memref_squeeze %get3A_257 : memref<1x128x128xf32, #tpu.memory_space<vmem>> -> memref<128x128xf32, #tpu.memory_space<vmem>>
      %get3A_259 = arith.index_cast %scan3A_228 : i32 to index
      %get3A_260 = arith.constant 16 : index
      %get3A_261 = tpu.vector_load %get3A_258[%get3A_259, %get3A_260] {strides = array<i32>} : memref<128x128xf32, #tpu.memory_space<vmem>>, vector<1x16xf32>,
      %get3A_262 = vector.shape_cast %get3A_261 : vector<1x16xf32> to vector<16xf32>
      %sub3A_263 = arith.subf %get3A_254, %get3A_262 : vector<16xf32>
      %mul3A_264 = arith.mulf %sub3A_263, %sub3A_263 : vector<16xf32>
      %add3A_265 = arith.addf %add3A_246, %mul3A_264 : vector<16xf32>
      %get3A_266 = arith.constant 0 : i32
      %get3A_267 = arith.constant 0 : i32
      %get3A_268 = tpu.memref_slice %arg7[%scan3A_186, %get3A_266, %get3A_267] : memref<2x128x128xf32, #tpu.memory_space<vmem>> -> memref<1x128x128xf32, #tpu.memory_space<vmem>>
      %get3A_269 = tpu.memref_squeeze %get3A_268 : memref<1x128x128xf32, #tpu.memory_space<vmem>> -> memref<128x128xf32, #tpu.memory_space<vmem>>
      %get3A_270 = arith.index_cast %scan3A_228 : i32 to index
      %get3A_271 = arith.constant 32 : index
      %get3A_272 = tpu.vector_load %get3A_269[%get3A_270, %get3A_271] {strides = array<i32>} : memref<128x128xf32, #tpu.memory_space<vmem>>, vector<1x16xf32>,
      %get3A_273 = vector.shape_cast %get3A_272 : vector<1x16xf32> to vector<16xf32>
      %get3A_274 = arith.constant 0 : i32
      %get3A_275 = arith.constant 0 : i32
      %get3A_276 = tpu.memref_slice %arg8[%scan3A_187, %get3A_274, %get3A_275] : memref<2x128x128xf32, #tpu.memory_space<vmem>> -> memref<1x128x128xf32, #tpu.memory_space<vmem>>
      %get3A_277 = tpu.memref_squeeze %get3A_276 : memref<1x128x128xf32, #tpu.memory_space<vmem>> -> memref<128x128xf32, #tpu.memory_space<vmem>>
      %get3A_278 = arith.index_cast %scan3A_228 : i32 to index
      %get3A_279 = arith.constant 32 : index
      %get3A_280 = tpu.vector_load %get3A_277[%get3A_278, %get3A_279] {strides = array<i32>} : memref<128x128xf32, #tpu.memory_space<vmem>>, vector<1x16xf32>,
      %get3A_281 = vector.shape_cast %get3A_280 : vector<1x16xf32> to vector<16xf32>
      %sub3A_282 = arith.subf %get3A_273, %get3A_281 : vector<16xf32>
      %mul3A_283 = arith.mulf %sub3A_282, %sub3A_282 : vector<16xf32>
      %add3A_284 = arith.addf %add3A_265, %mul3A_283 : vector<16xf32>
      %get3A_285 = arith.constant 0 : i32
      %get3A_286 = arith.constant 0 : i32
      %get3A_287 = tpu.memref_slice %arg7[%scan3A_186, %get3A_285, %get3A_286] : memref<2x128x128xf32, #tpu.memory_space<vmem>> -> memref<1x128x128xf32, #tpu.memory_space<vmem>>
      %get3A_288 = tpu.memref_squeeze %get3A_287 : memref<1x128x128xf32, #tpu.memory_space<vmem>> -> memref<128x128xf32, #tpu.memory_space<vmem>>
      %get3A_289 = arith.index_cast %scan3A_228 : i32 to index
      %get3A_290 = arith.constant 48 : index
      %get3A_291 = tpu.vector_load %get3A_288[%get3A_289, %get3A_290] {strides = array<i32>} : memref<128x128xf32, #tpu.memory_space<vmem>>, vector<1x16xf32>,
      %get3A_292 = vector.shape_cast %get3A_291 : vector<1x16xf32> to vector<16xf32>
      %get3A_293 = arith.constant 0 : i32
      %get3A_294 = arith.constant 0 : i32
      %get3A_295 = tpu.memref_slice %arg8[%scan3A_187, %get3A_293, %get3A_294] : memref<2x128x128xf32, #tpu.memory_space<vmem>> -> memref<1x128x128xf32, #tpu.memory_space<vmem>>
      %get3A_296 = tpu.memref_squeeze %get3A_295 : memref<1x128x128xf32, #tpu.memory_space<vmem>> -> memref<128x128xf32, #tpu.memory_space<vmem>>
      %get3A_297 = arith.index_cast %scan3A_228 : i32 to index
      %get3A_298 = arith.constant 48 : index
      %get3A_299 = tpu.vector_load %get3A_296[%get3A_297, %get3A_298] {strides = array<i32>} : memref<128x128xf32, #tpu.memory_space<vmem>>, vector<1x16xf32>,
      %get3A_300 = vector.shape_cast %get3A_299 : vector<1x16xf32> to vector<16xf32>
      %sub3A_301 = arith.subf %get3A_292, %get3A_300 : vector<16xf32>
      %mul3A_302 = arith.mulf %sub3A_301, %sub3A_301 : vector<16xf32>
      %add3A_303 = arith.addf %add3A_284, %mul3A_302 : vector<16xf32>
      %get3A_304 = arith.constant 0 : i32
      %get3A_305 = arith.constant 0 : i32
      %get3A_306 = tpu.memref_slice %arg7[%scan3A_186, %get3A_304, %get3A_305] : memref<2x128x128xf32, #tpu.memory_space<vmem>> -> memref<1x128x128xf32, #tpu.memory_space<vmem>>
      %get3A_307 = tpu.memref_squeeze %get3A_306 : memref<1x128x128xf32, #tpu.memory_space<vmem>> -> memref<128x128xf32, #tpu.memory_space<vmem>>
      %get3A_308 = arith.index_cast %scan3A_228 : i32 to index
      %get3A_309 = arith.constant 64 : index
      %get3A_310 = tpu.vector_load %get3A_307[%get3A_308, %get3A_309] {strides = array<i32>} : memref<128x128xf32, #tpu.memory_space<vmem>>, vector<1x16xf32>,
      %get3A_311 = vector.shape_cast %get3A_310 : vector<1x16xf32> to vector<16xf32>
      %get3A_312 = arith.constant 0 : i32
      %get3A_313 = arith.constant 0 : i32
      %get3A_314 = tpu.memref_slice %arg8[%scan3A_187, %get3A_312, %get3A_313] : memref<2x128x128xf32, #tpu.memory_space<vmem>> -> memref<1x128x128xf32, #tpu.memory_space<vmem>>
      %get3A_315 = tpu.memref_squeeze %get3A_314 : memref<1x128x128xf32, #tpu.memory_space<vmem>> -> memref<128x128xf32, #tpu.memory_space<vmem>>
      %get3A_316 = arith.index_cast %scan3A_228 : i32 to index
      %get3A_317 = arith.constant 64 : index
      %get3A_318 = tpu.vector_load %get3A_315[%get3A_316, %get3A_317] {strides = array<i32>} : memref<128x128xf32, #tpu.memory_space<vmem>>, vector<1x16xf32>,
      %get3A_319 = vector.shape_cast %get3A_318 : vector<1x16xf32> to vector<16xf32>
      %sub3A_320 = arith.subf %get3A_311, %get3A_319 : vector<16xf32>
      %mul3A_321 = arith.mulf %sub3A_320, %sub3A_320 : vector<16xf32>
      %add3A_322 = arith.addf %add3A_303, %mul3A_321 : vector<16xf32>
      %get3A_323 = arith.constant 0 : i32
      %get3A_324 = arith.constant 0 : i32
      %get3A_325 = tpu.memref_slice %arg7[%scan3A_186, %get3A_323, %get3A_324] : memref<2x128x128xf32, #tpu.memory_space<vmem>> -> memref<1x128x128xf32, #tpu.memory_space<vmem>>
      %get3A_326 = tpu.memref_squeeze %get3A_325 : memref<1x128x128xf32, #tpu.memory_space<vmem>> -> memref<128x128xf32, #tpu.memory_space<vmem>>
      %get3A_327 = arith.index_cast %scan3A_228 : i32 to index
      %get3A_328 = arith.constant 80 : index
      %get3A_329 = tpu.vector_load %get3A_326[%get3A_327, %get3A_328] {strides = array<i32>} : memref<128x128xf32, #tpu.memory_space<vmem>>, vector<1x16xf32>,
      %get3A_330 = vector.shape_cast %get3A_329 : vector<1x16xf32> to vector<16xf32>
      %get3A_331 = arith.constant 0 : i32
      %get3A_332 = arith.constant 0 : i32
      %get3A_333 = tpu.memref_slice %arg8[%scan3A_187, %get3A_331, %get3A_332] : memref<2x128x128xf32, #tpu.memory_space<vmem>> -> memref<1x128x128xf32, #tpu.memory_space<vmem>>
      %get3A_334 = tpu.memref_squeeze %get3A_333 : memref<1x128x128xf32, #tpu.memory_space<vmem>> -> memref<128x128xf32, #tpu.memory_space<vmem>>
      %get3A_335 = arith.index_cast %scan3A_228 : i32 to index
      %get3A_336 = arith.constant 80 : index
      %get3A_337 = tpu.vector_load %get3A_334[%get3A_335, %get3A_336] {strides = array<i32>} : memref<128x128xf32, #tpu.memory_space<vmem>>, vector<1x16xf32>,
      %get3A_338 = vector.shape_cast %get3A_337 : vector<1x16xf32> to vector<16xf32>
      %sub3A_339 = arith.subf %get3A_330, %get3A_338 : vector<16xf32>
      %mul3A_340 = arith.mulf %sub3A_339, %sub3A_339 : vector<16xf32>
      %add3A_341 = arith.addf %add3A_322, %mul3A_340 : vector<16xf32>
      %get3A_342 = arith.constant 0 : i32
      %get3A_343 = arith.constant 0 : i32
      %get3A_344 = tpu.memref_slice %arg7[%scan3A_186, %get3A_342, %get3A_343] : memref<2x128x128xf32, #tpu.memory_space<vmem>> -> memref<1x128x128xf32, #tpu.memory_space<vmem>>
      %get3A_345 = tpu.memref_squeeze %get3A_344 : memref<1x128x128xf32, #tpu.memory_space<vmem>> -> memref<128x128xf32, #tpu.memory_space<vmem>>
      %get3A_346 = arith.index_cast %scan3A_228 : i32 to index
      %get3A_347 = arith.constant 96 : index
      %get3A_348 = tpu.vector_load %get3A_345[%get3A_346, %get3A_347] {strides = array<i32>} : memref<128x128xf32, #tpu.memory_space<vmem>>, vector<1x16xf32>,
      %get3A_349 = vector.shape_cast %get3A_348 : vector<1x16xf32> to vector<16xf32>
      %get3A_350 = arith.constant 0 : i32
      %get3A_351 = arith.constant 0 : i32
      %get3A_352 = tpu.memref_slice %arg8[%scan3A_187, %get3A_350, %get3A_351] : memref<2x128x128xf32, #tpu.memory_space<vmem>> -> memref<1x128x128xf32, #tpu.memory_space<vmem>>
      %get3A_353 = tpu.memref_squeeze %get3A_352 : memref<1x128x128xf32, #tpu.memory_space<vmem>> -> memref<128x128xf32, #tpu.memory_space<vmem>>
      %get3A_354 = arith.index_cast %scan3A_228 : i32 to index
      %get3A_355 = arith.constant 96 : index
      %get3A_356 = tpu.vector_load %get3A_353[%get3A_354, %get3A_355] {strides = array<i32>} : memref<128x128xf32, #tpu.memory_space<vmem>>, vector<1x16xf32>,
      %get3A_357 = vector.shape_cast %get3A_356 : vector<1x16xf32> to vector<16xf32>
      %sub3A_358 = arith.subf %get3A_349, %get3A_357 : vector<16xf32>
      %mul3A_359 = arith.mulf %sub3A_358, %sub3A_358 : vector<16xf32>
      %add3A_360 = arith.addf %add3A_341, %mul3A_359 : vector<16xf32>
      %get3A_361 = arith.constant 0 : i32
      %get3A_362 = arith.constant 0 : i32
      %get3A_363 = tpu.memref_slice %arg7[%scan3A_186, %get3A_361, %get3A_362] : memref<2x128x128xf32, #tpu.memory_space<vmem>> -> memref<1x128x128xf32, #tpu.memory_space<vmem>>
      %get3A_364 = tpu.memref_squeeze %get3A_363 : memref<1x128x128xf32, #tpu.memory_space<vmem>> -> memref<128x128xf32, #tpu.memory_space<vmem>>
      %get3A_365 = arith.index_cast %scan3A_228 : i32 to index
      %get3A_366 = arith.constant 112 : index
      %get3A_367 = tpu.vector_load %get3A_364[%get3A_365, %get3A_366] {strides = array<i32>} : memref<128x128xf32, #tpu.memory_space<vmem>>, vector<1x16xf32>,
      %get3A_368 = vector.shape_cast %get3A_367 : vector<1x16xf32> to vector<16xf32>
      %get3A_369 = arith.constant 0 : i32
      %get3A_370 = arith.constant 0 : i32
      %get3A_371 = tpu.memref_slice %arg8[%scan3A_187, %get3A_369, %get3A_370] : memref<2x128x128xf32, #tpu.memory_space<vmem>> -> memref<1x128x128xf32, #tpu.memory_space<vmem>>
      %get3A_372 = tpu.memref_squeeze %get3A_371 : memref<1x128x128xf32, #tpu.memory_space<vmem>> -> memref<128x128xf32, #tpu.memory_space<vmem>>
      %get3A_373 = arith.index_cast %scan3A_228 : i32 to index
      %get3A_374 = arith.constant 112 : index
      %get3A_375 = tpu.vector_load %get3A_372[%get3A_373, %get3A_374] {strides = array<i32>} : memref<128x128xf32, #tpu.memory_space<vmem>>, vector<1x16xf32>,
      %get3A_376 = vector.shape_cast %get3A_375 : vector<1x16xf32> to vector<16xf32>
      %sub3A_377 = arith.subf %get3A_368, %get3A_376 : vector<16xf32>
      %mul3A_378 = arith.mulf %sub3A_377, %sub3A_377 : vector<16xf32>
      %add3A_379 = arith.addf %add3A_360, %mul3A_378 : vector<16xf32>
      scf.yield %add3A_379 : vector<16xf32>
    }
    %scan3A_193 = arith.constant 128 : i32
    %dma_wait3A_194 = arith.constant 1 : i32
    %dma_wait3A_195 = arith.constant 0 : i32
    %dma_wait3A_196 = arith.constant 0 : i32
    %dma_wait3A_197 = tpu.memref_slice %arg7[%dma_wait3A_194, %dma_wait3A_195, %dma_wait3A_196] : memref<2x128x128xf32, #tpu.memory_space<vmem>> -> memref<1x128x128xf32, #tpu.memory_space<vmem>>
    %dma_wait3A_198 = tpu.memref_squeeze %dma_wait3A_197 : memref<1x128x128xf32, #tpu.memory_space<vmem>> -> memref<128x128xf32, #tpu.memory_space<vmem>>
    %dma_wait3A_199 = arith.constant 0 : i32
    %dma_wait3A_200 = tpu.memref_slice %arg2[%add3A_139, %dma_wait3A_199] : memref<16384x128xf32, #tpu.memory_space<hbm>> -> memref<128x128xf32, #tpu.memory_space<hbm>>
    %dma_wait3A_201 = arith.constant 0 : i32
    %dma_wait3A_202 = arith.constant 0 : i32
    %dma_wait3A_203 = tpu.memref_slice %arg7[%dma_wait3A_194, %dma_wait3A_201, %dma_wait3A_202] : memref<2x128x128xf32, #tpu.memory_space<vmem>> -> memref<1x128x128xf32, #tpu.memory_space<vmem>>
    %dma_wait3A_204 = tpu.memref_squeeze %dma_wait3A_203 : memref<1x128x128xf32, #tpu.memory_space<vmem>> -> memref<128x128xf32, #tpu.memory_space<vmem>>
    %dma_wait3A_205 = arith.constant 0 : i32
    %dma_wait3A_206 = tpu.memref_slice %arg2[%add3A_139, %dma_wait3A_205] : memref<16384x128xf32, #tpu.memory_space<hbm>> -> memref<128x128xf32, #tpu.memory_space<hbm>>
    tpu.wait_dma2 semaphore(%arg11 : memref<!tpu.dma_semaphore, #tpu.memory_space<semaphore_mem>>) src(%dma_wait3A_206 : memref<128x128xf32, #tpu.memory_space<hbm>>) dst(%dma_wait3A_204 : memref<128x128xf32, #tpu.memory_space<vmem>>)
    %dma_wait3A_207 = arith.constant 1 : i32
    %dma_wait3A_208 = arith.constant 0 : i32
    %dma_wait3A_209 = arith.constant 0 : i32
    %dma_wait3A_210 = tpu.memref_slice %arg8[%dma_wait3A_207, %dma_wait3A_208, %dma_wait3A_209] : memref<2x128x128xf32, #tpu.memory_space<vmem>> -> memref<1x128x128xf32, #tpu.memory_space<vmem>>
    %dma_wait3A_211 = tpu.memref_squeeze %dma_wait3A_210 : memref<1x128x128xf32, #tpu.memory_space<vmem>> -> memref<128x128xf32, #tpu.memory_space<vmem>>
    %dma_wait3A_212 = arith.constant 384 : i32
    %dma_wait3A_213 = tpu.memref_slice %arg6[%dma_wait3A_212] : memref<512xi32, #tpu.memory_space<vmem>> -> memref<128xi32, #tpu.memory_space<vmem>>
    %dma_wait3A_214 = arith.constant 0 : i32
    %dma_wait3A_215 = arith.constant 0 : i32
    %dma_wait3A_216 = tpu.memref_slice %arg4[%dma_wait3A_214, %dma_wait3A_215] : memref<100000x128xf32, #tpu.memory_space<hbm>> -> memref<100000x128xf32, #tpu.memory_space<hbm>>
    tpu.wait_indirect_dma semaphore(%arg13 : memref<!tpu.dma_semaphore, #tpu.memory_space<semaphore_mem>>) src(%dma_wait3A_216 : memref<100000x128xf32, #tpu.memory_space<hbm>>) dst(%dma_wait3A_211 : memref<128x128xf32, #tpu.memory_space<vmem>>)
    %scan3A_217 = arith.constant 1 : i32
    %scan3A_218 = arith.constant 1 : i32
    %scan3A_219 = arith.constant 0 : i32
    %scan3A_220 = arith.constant 128 : i32
    %scan3A_221 = arith.addi %scan3A_219, %scan3A_220 : i32
    %scan3A_222 = arith.constant 1 : i32
    %scan3A_223 = scf.for %scan3A_228 = %scan3A_219 to %scan3A_221 step %scan3A_222 iter_args(%scan3A_229 = %scan3A_192) -> (vector<16xf32>)  : i32 {
      %get3A = arith.constant 0 : i32
      %get3A_230 = arith.constant 0 : i32
      %get3A_231 = tpu.memref_slice %arg7[%scan3A_217, %get3A, %get3A_230] : memref<2x128x128xf32, #tpu.memory_space<vmem>> -> memref<1x128x128xf32, #tpu.memory_space<vmem>>
      %get3A_232 = tpu.memref_squeeze %get3A_231 : memref<1x128x128xf32, #tpu.memory_space<vmem>> -> memref<128x128xf32, #tpu.memory_space<vmem>>
      %get3A_233 = arith.index_cast %scan3A_228 : i32 to index
      %get3A_234 = arith.constant 0 : index
      %get3A_235 = tpu.vector_load %get3A_232[%get3A_233, %get3A_234] {strides = array<i32>} : memref<128x128xf32, #tpu.memory_space<vmem>>, vector<1x16xf32>,
      %get3A_236 = vector.shape_cast %get3A_235 : vector<1x16xf32> to vector<16xf32>
      %get3A_237 = arith.constant 0 : i32
      %get3A_238 = arith.constant 0 : i32
      %get3A_239 = tpu.memref_slice %arg8[%scan3A_218, %get3A_237, %get3A_238] : memref<2x128x128xf32, #tpu.memory_space<vmem>> -> memref<1x128x128xf32, #tpu.memory_space<vmem>>
      %get3A_240 = tpu.memref_squeeze %get3A_239 : memref<1x128x128xf32, #tpu.memory_space<vmem>> -> memref<128x128xf32, #tpu.memory_space<vmem>>
      %get3A_241 = arith.index_cast %scan3A_228 : i32 to index
      %get3A_242 = arith.constant 0 : index
      %get3A_243 = tpu.vector_load %get3A_240[%get3A_241, %get3A_242] {strides = array<i32>} : memref<128x128xf32, #tpu.memory_space<vmem>>, vector<1x16xf32>,
      %get3A_244 = vector.shape_cast %get3A_243 : vector<1x16xf32> to vector<16xf32>
      %sub3A = arith.subf %get3A_236, %get3A_244 : vector<16xf32>
      %mul3A_245 = arith.mulf %sub3A, %sub3A : vector<16xf32>
      %add3A_246 = arith.addf %scan3A_229, %mul3A_245 : vector<16xf32>
      %get3A_247 = arith.constant 0 : i32
      %get3A_248 = arith.constant 0 : i32
      %get3A_249 = tpu.memref_slice %arg7[%scan3A_217, %get3A_247, %get3A_248] : memref<2x128x128xf32, #tpu.memory_space<vmem>> -> memref<1x128x128xf32, #tpu.memory_space<vmem>>
      %get3A_250 = tpu.memref_squeeze %get3A_249 : memref<1x128x128xf32, #tpu.memory_space<vmem>> -> memref<128x128xf32, #tpu.memory_space<vmem>>
      %get3A_251 = arith.index_cast %scan3A_228 : i32 to index
      %get3A_252 = arith.constant 16 : index
      %get3A_253 = tpu.vector_load %get3A_250[%get3A_251, %get3A_252] {strides = array<i32>} : memref<128x128xf32, #tpu.memory_space<vmem>>, vector<1x16xf32>,
      %get3A_254 = vector.shape_cast %get3A_253 : vector<1x16xf32> to vector<16xf32>
      %get3A_255 = arith.constant 0 : i32
      %get3A_256 = arith.constant 0 : i32
      %get3A_257 = tpu.memref_slice %arg8[%scan3A_218, %get3A_255, %get3A_256] : memref<2x128x128xf32, #tpu.memory_space<vmem>> -> memref<1x128x128xf32, #tpu.memory_space<vmem>>
      %get3A_258 = tpu.memref_squeeze %get3A_257 : memref<1x128x128xf32, #tpu.memory_space<vmem>> -> memref<128x128xf32, #tpu.memory_space<vmem>>
      %get3A_259 = arith.index_cast %scan3A_228 : i32 to index
      %get3A_260 = arith.constant 16 : index
      %get3A_261 = tpu.vector_load %get3A_258[%get3A_259, %get3A_260] {strides = array<i32>} : memref<128x128xf32, #tpu.memory_space<vmem>>, vector<1x16xf32>,
      %get3A_262 = vector.shape_cast %get3A_261 : vector<1x16xf32> to vector<16xf32>
      %sub3A_263 = arith.subf %get3A_254, %get3A_262 : vector<16xf32>
      %mul3A_264 = arith.mulf %sub3A_263, %sub3A_263 : vector<16xf32>
      %add3A_265 = arith.addf %add3A_246, %mul3A_264 : vector<16xf32>
      %get3A_266 = arith.constant 0 : i32
      %get3A_267 = arith.constant 0 : i32
      %get3A_268 = tpu.memref_slice %arg7[%scan3A_217, %get3A_266, %get3A_267] : memref<2x128x128xf32, #tpu.memory_space<vmem>> -> memref<1x128x128xf32, #tpu.memory_space<vmem>>
      %get3A_269 = tpu.memref_squeeze %get3A_268 : memref<1x128x128xf32, #tpu.memory_space<vmem>> -> memref<128x128xf32, #tpu.memory_space<vmem>>
      %get3A_270 = arith.index_cast %scan3A_228 : i32 to index
      %get3A_271 = arith.constant 32 : index
      %get3A_272 = tpu.vector_load %get3A_269[%get3A_270, %get3A_271] {strides = array<i32>} : memref<128x128xf32, #tpu.memory_space<vmem>>, vector<1x16xf32>,
      %get3A_273 = vector.shape_cast %get3A_272 : vector<1x16xf32> to vector<16xf32>
      %get3A_274 = arith.constant 0 : i32
      %get3A_275 = arith.constant 0 : i32
      %get3A_276 = tpu.memref_slice %arg8[%scan3A_218, %get3A_274, %get3A_275] : memref<2x128x128xf32, #tpu.memory_space<vmem>> -> memref<1x128x128xf32, #tpu.memory_space<vmem>>
      %get3A_277 = tpu.memref_squeeze %get3A_276 : memref<1x128x128xf32, #tpu.memory_space<vmem>> -> memref<128x128xf32, #tpu.memory_space<vmem>>
      %get3A_278 = arith.index_cast %scan3A_228 : i32 to index
      %get3A_279 = arith.constant 32 : index
      %get3A_280 = tpu.vector_load %get3A_277[%get3A_278, %get3A_279] {strides = array<i32>} : memref<128x128xf32, #tpu.memory_space<vmem>>, vector<1x16xf32>,
      %get3A_281 = vector.shape_cast %get3A_280 : vector<1x16xf32> to vector<16xf32>
      %sub3A_282 = arith.subf %get3A_273, %get3A_281 : vector<16xf32>
      %mul3A_283 = arith.mulf %sub3A_282, %sub3A_282 : vector<16xf32>
      %add3A_284 = arith.addf %add3A_265, %mul3A_283 : vector<16xf32>
      %get3A_285 = arith.constant 0 : i32
      %get3A_286 = arith.constant 0 : i32
      %get3A_287 = tpu.memref_slice %arg7[%scan3A_217, %get3A_285, %get3A_286] : memref<2x128x128xf32, #tpu.memory_space<vmem>> -> memref<1x128x128xf32, #tpu.memory_space<vmem>>
      %get3A_288 = tpu.memref_squeeze %get3A_287 : memref<1x128x128xf32, #tpu.memory_space<vmem>> -> memref<128x128xf32, #tpu.memory_space<vmem>>
      %get3A_289 = arith.index_cast %scan3A_228 : i32 to index
      %get3A_290 = arith.constant 48 : index
      %get3A_291 = tpu.vector_load %get3A_288[%get3A_289, %get3A_290] {strides = array<i32>} : memref<128x128xf32, #tpu.memory_space<vmem>>, vector<1x16xf32>,
      %get3A_292 = vector.shape_cast %get3A_291 : vector<1x16xf32> to vector<16xf32>
      %get3A_293 = arith.constant 0 : i32
      %get3A_294 = arith.constant 0 : i32
      %get3A_295 = tpu.memref_slice %arg8[%scan3A_218, %get3A_293, %get3A_294] : memref<2x128x128xf32, #tpu.memory_space<vmem>> -> memref<1x128x128xf32, #tpu.memory_space<vmem>>
      %get3A_296 = tpu.memref_squeeze %get3A_295 : memref<1x128x128xf32, #tpu.memory_space<vmem>> -> memref<128x128xf32, #tpu.memory_space<vmem>>
      %get3A_297 = arith.index_cast %scan3A_228 : i32 to index
      %get3A_298 = arith.constant 48 : index
      %get3A_299 = tpu.vector_load %get3A_296[%get3A_297, %get3A_298] {strides = array<i32>} : memref<128x128xf32, #tpu.memory_space<vmem>>, vector<1x16xf32>,
      %get3A_300 = vector.shape_cast %get3A_299 : vector<1x16xf32> to vector<16xf32>
      %sub3A_301 = arith.subf %get3A_292, %get3A_300 : vector<16xf32>
      %mul3A_302 = arith.mulf %sub3A_301, %sub3A_301 : vector<16xf32>
      %add3A_303 = arith.addf %add3A_284, %mul3A_302 : vector<16xf32>
      %get3A_304 = arith.constant 0 : i32
      %get3A_305 = arith.constant 0 : i32
      %get3A_306 = tpu.memref_slice %arg7[%scan3A_217, %get3A_304, %get3A_305] : memref<2x128x128xf32, #tpu.memory_space<vmem>> -> memref<1x128x128xf32, #tpu.memory_space<vmem>>
      %get3A_307 = tpu.memref_squeeze %get3A_306 : memref<1x128x128xf32, #tpu.memory_space<vmem>> -> memref<128x128xf32, #tpu.memory_space<vmem>>
      %get3A_308 = arith.index_cast %scan3A_228 : i32 to index
      %get3A_309 = arith.constant 64 : index
      %get3A_310 = tpu.vector_load %get3A_307[%get3A_308, %get3A_309] {strides = array<i32>} : memref<128x128xf32, #tpu.memory_space<vmem>>, vector<1x16xf32>,
      %get3A_311 = vector.shape_cast %get3A_310 : vector<1x16xf32> to vector<16xf32>
      %get3A_312 = arith.constant 0 : i32
      %get3A_313 = arith.constant 0 : i32
      %get3A_314 = tpu.memref_slice %arg8[%scan3A_218, %get3A_312, %get3A_313] : memref<2x128x128xf32, #tpu.memory_space<vmem>> -> memref<1x128x128xf32, #tpu.memory_space<vmem>>
      %get3A_315 = tpu.memref_squeeze %get3A_314 : memref<1x128x128xf32, #tpu.memory_space<vmem>> -> memref<128x128xf32, #tpu.memory_space<vmem>>
      %get3A_316 = arith.index_cast %scan3A_228 : i32 to index
      %get3A_317 = arith.constant 64 : index
      %get3A_318 = tpu.vector_load %get3A_315[%get3A_316, %get3A_317] {strides = array<i32>} : memref<128x128xf32, #tpu.memory_space<vmem>>, vector<1x16xf32>,
      %get3A_319 = vector.shape_cast %get3A_318 : vector<1x16xf32> to vector<16xf32>
      %sub3A_320 = arith.subf %get3A_311, %get3A_319 : vector<16xf32>
      %mul3A_321 = arith.mulf %sub3A_320, %sub3A_320 : vector<16xf32>
      %add3A_322 = arith.addf %add3A_303, %mul3A_321 : vector<16xf32>
      %get3A_323 = arith.constant 0 : i32
      %get3A_324 = arith.constant 0 : i32
      %get3A_325 = tpu.memref_slice %arg7[%scan3A_217, %get3A_323, %get3A_324] : memref<2x128x128xf32, #tpu.memory_space<vmem>> -> memref<1x128x128xf32, #tpu.memory_space<vmem>>
      %get3A_326 = tpu.memref_squeeze %get3A_325 : memref<1x128x128xf32, #tpu.memory_space<vmem>> -> memref<128x128xf32, #tpu.memory_space<vmem>>
      %get3A_327 = arith.index_cast %scan3A_228 : i32 to index
      %get3A_328 = arith.constant 80 : index
      %get3A_329 = tpu.vector_load %get3A_326[%get3A_327, %get3A_328] {strides = array<i32>} : memref<128x128xf32, #tpu.memory_space<vmem>>, vector<1x16xf32>,
      %get3A_330 = vector.shape_cast %get3A_329 : vector<1x16xf32> to vector<16xf32>
      %get3A_331 = arith.constant 0 : i32
      %get3A_332 = arith.constant 0 : i32
      %get3A_333 = tpu.memref_slice %arg8[%scan3A_218, %get3A_331, %get3A_332] : memref<2x128x128xf32, #tpu.memory_space<vmem>> -> memref<1x128x128xf32, #tpu.memory_space<vmem>>
      %get3A_334 = tpu.memref_squeeze %get3A_333 : memref<1x128x128xf32, #tpu.memory_space<vmem>> -> memref<128x128xf32, #tpu.memory_space<vmem>>
      %get3A_335 = arith.index_cast %scan3A_228 : i32 to index
      %get3A_336 = arith.constant 80 : index
      %get3A_337 = tpu.vector_load %get3A_334[%get3A_335, %get3A_336] {strides = array<i32>} : memref<128x128xf32, #tpu.memory_space<vmem>>, vector<1x16xf32>,
      %get3A_338 = vector.shape_cast %get3A_337 : vector<1x16xf32> to vector<16xf32>
      %sub3A_339 = arith.subf %get3A_330, %get3A_338 : vector<16xf32>
      %mul3A_340 = arith.mulf %sub3A_339, %sub3A_339 : vector<16xf32>
      %add3A_341 = arith.addf %add3A_322, %mul3A_340 : vector<16xf32>
      %get3A_342 = arith.constant 0 : i32
      %get3A_343 = arith.constant 0 : i32
      %get3A_344 = tpu.memref_slice %arg7[%scan3A_217, %get3A_342, %get3A_343] : memref<2x128x128xf32, #tpu.memory_space<vmem>> -> memref<1x128x128xf32, #tpu.memory_space<vmem>>
      %get3A_345 = tpu.memref_squeeze %get3A_344 : memref<1x128x128xf32, #tpu.memory_space<vmem>> -> memref<128x128xf32, #tpu.memory_space<vmem>>
      %get3A_346 = arith.index_cast %scan3A_228 : i32 to index
      %get3A_347 = arith.constant 96 : index
      %get3A_348 = tpu.vector_load %get3A_345[%get3A_346, %get3A_347] {strides = array<i32>} : memref<128x128xf32, #tpu.memory_space<vmem>>, vector<1x16xf32>,
      %get3A_349 = vector.shape_cast %get3A_348 : vector<1x16xf32> to vector<16xf32>
      %get3A_350 = arith.constant 0 : i32
      %get3A_351 = arith.constant 0 : i32
      %get3A_352 = tpu.memref_slice %arg8[%scan3A_218, %get3A_350, %get3A_351] : memref<2x128x128xf32, #tpu.memory_space<vmem>> -> memref<1x128x128xf32, #tpu.memory_space<vmem>>
      %get3A_353 = tpu.memref_squeeze %get3A_352 : memref<1x128x128xf32, #tpu.memory_space<vmem>> -> memref<128x128xf32, #tpu.memory_space<vmem>>
      %get3A_354 = arith.index_cast %scan3A_228 : i32 to index
      %get3A_355 = arith.constant 96 : index
      %get3A_356 = tpu.vector_load %get3A_353[%get3A_354, %get3A_355] {strides = array<i32>} : memref<128x128xf32, #tpu.memory_space<vmem>>, vector<1x16xf32>,
      %get3A_357 = vector.shape_cast %get3A_356 : vector<1x16xf32> to vector<16xf32>
      %sub3A_358 = arith.subf %get3A_349, %get3A_357 : vector<16xf32>
      %mul3A_359 = arith.mulf %sub3A_358, %sub3A_358 : vector<16xf32>
      %add3A_360 = arith.addf %add3A_341, %mul3A_359 : vector<16xf32>
      %get3A_361 = arith.constant 0 : i32
      %get3A_362 = arith.constant 0 : i32
      %get3A_363 = tpu.memref_slice %arg7[%scan3A_217, %get3A_361, %get3A_362] : memref<2x128x128xf32, #tpu.memory_space<vmem>> -> memref<1x128x128xf32, #tpu.memory_space<vmem>>
      %get3A_364 = tpu.memref_squeeze %get3A_363 : memref<1x128x128xf32, #tpu.memory_space<vmem>> -> memref<128x128xf32, #tpu.memory_space<vmem>>
      %get3A_365 = arith.index_cast %scan3A_228 : i32 to index
      %get3A_366 = arith.constant 112 : index
      %get3A_367 = tpu.vector_load %get3A_364[%get3A_365, %get3A_366] {strides = array<i32>} : memref<128x128xf32, #tpu.memory_space<vmem>>, vector<1x16xf32>,
      %get3A_368 = vector.shape_cast %get3A_367 : vector<1x16xf32> to vector<16xf32>
      %get3A_369 = arith.constant 0 : i32
      %get3A_370 = arith.constant 0 : i32
      %get3A_371 = tpu.memref_slice %arg8[%scan3A_218, %get3A_369, %get3A_370] : memref<2x128x128xf32, #tpu.memory_space<vmem>> -> memref<1x128x128xf32, #tpu.memory_space<vmem>>
      %get3A_372 = tpu.memref_squeeze %get3A_371 : memref<1x128x128xf32, #tpu.memory_space<vmem>> -> memref<128x128xf32, #tpu.memory_space<vmem>>
      %get3A_373 = arith.index_cast %scan3A_228 : i32 to index
      %get3A_374 = arith.constant 112 : index
      %get3A_375 = tpu.vector_load %get3A_372[%get3A_373, %get3A_374] {strides = array<i32>} : memref<128x128xf32, #tpu.memory_space<vmem>>, vector<1x16xf32>,
      %get3A_376 = vector.shape_cast %get3A_375 : vector<1x16xf32> to vector<16xf32>
      %sub3A_377 = arith.subf %get3A_368, %get3A_376 : vector<16xf32>
      %mul3A_378 = arith.mulf %sub3A_377, %sub3A_377 : vector<16xf32>
      %add3A_379 = arith.addf %add3A_360, %mul3A_378 : vector<16xf32>
      scf.yield %add3A_379 : vector<16xf32>
    }
    %scan3A_224 = arith.constant 128 : i32
    %swap3A = arith.constant 0 : index
    %swap3A_225 = tpu.vector_load %arg9[%swap3A] {strides = array<i32>} : memref<16xf32, #tpu.memory_space<vmem>>, vector<16xf32>,
    %swap3A_226 = vector.shape_cast %swap3A_225 : vector<16xf32> to vector<16xf32>
    %swap3A_227 = vector.shape_cast %scan3A_223 : vector<16xf32> to vector<16xf32>
    tpu.vector_store %arg9[%swap3A], %swap3A_227 {strides = array<i32>} : memref<16xf32, #tpu.memory_space<vmem>>, vector<16xf32>,
    "tpu.region"() ({
      %run_scoped3A = tpu.sem_alloc : memref<!tpu.dma_semaphore, #tpu.memory_space<semaphore_mem>>
      %dma_start3A_228 = arith.constant 0 : i32
      %dma_start3A_229 = tpu.memref_slice %arg5[%add3A, %dma_start3A_228] : memref<32x16xf32, #tpu.memory_space<hbm>> -> memref<1x16xf32, #tpu.memory_space<hbm>>
      %dma_start3A_230 = tpu.memref_squeeze %dma_start3A_229 : memref<1x16xf32, #tpu.memory_space<hbm>> -> memref<16xf32, #tpu.memory_space<hbm>>
      %dma_start3A_231 = arith.constant 0 : i32
      %dma_start3A_232 = tpu.memref_slice %arg5[%add3A, %dma_start3A_231] : memref<32x16xf32, #tpu.memory_space<hbm>> -> memref<1x16xf32, #tpu.memory_space<hbm>>
      %dma_start3A_233 = tpu.memref_squeeze %dma_start3A_232 : memref<1x16xf32, #tpu.memory_space<hbm>> -> memref<16xf32, #tpu.memory_space<hbm>>
      tpu.enqueue_dma source(%arg9 : memref<16xf32, #tpu.memory_space<vmem>>) target(%dma_start3A_233 : memref<16xf32, #tpu.memory_space<hbm>>) target_semaphore(%run_scoped3A : memref<!tpu.dma_semaphore, #tpu.memory_space<semaphore_mem>>)
      %dma_wait3A_234 = arith.constant 0 : i32
      %dma_wait3A_235 = tpu.memref_slice %arg5[%add3A, %dma_wait3A_234] : memref<32x16xf32, #tpu.memory_space<hbm>> -> memref<1x16xf32, #tpu.memory_space<hbm>>
      %dma_wait3A_236 = tpu.memref_squeeze %dma_wait3A_235 : memref<1x16xf32, #tpu.memory_space<hbm>> -> memref<16xf32, #tpu.memory_space<hbm>>
      %dma_wait3A_237 = arith.constant 0 : i32
      %dma_wait3A_238 = tpu.memref_slice %arg5[%add3A, %dma_wait3A_237] : memref<32x16xf32, #tpu.memory_space<hbm>> -> memref<1x16xf32, #tpu.memory_space<hbm>>
      %dma_wait3A_239 = tpu.memref_squeeze %dma_wait3A_238 : memref<1x16xf32, #tpu.memory_space<hbm>> -> memref<16xf32, #tpu.memory_space<hbm>>
      tpu.wait_dma2 semaphore(%run_scoped3A : memref<!tpu.dma_semaphore, #tpu.memory_space<semaphore_mem>>) src(%arg9 : memref<16xf32, #tpu.memory_space<vmem>>) dst(%dma_wait3A_239 : memref<16xf32, #tpu.memory_space<hbm>>)
      tpu.yield
    }) : () -> ()
    return
  }
}

</mosaic_0001>

<sc_bundles>
// kernel: kernel.3.cloned.1.call-start
scs
__scs_entry_jumppad:
0x0: {  	(pc) =	sbr.rel $0x88, $3  }
0x1: {  	(tag) =	ssettag $0x0;
	lr =	simm.s32 $0x1  }
0x2: {  	[smem:$0x3F9E] =	sst lr;
	_ =	strace $0xD0000000  }
0x3: {  	_ = 	snop  }
0x4: {  	_ = 	snop  }
0x5: {  	_ = 	snop  }
0x6: {  	_ = 	snop  }
0x7: {  	_ = 	snop  }
__scs_overlays_trampoline_lowered:
0x8: {  	[smem:$0x3FAD] =	sst s0  }
0x9: {  	[smem:$0x3FAE] =	sst s1  }
0xa: {  	[smem:$0x3FAF] =	sst s2  }
0xb: {  	[smem:$0x3FB0] =	sst s3  }
0xc: {  	[smem:$0x3FB1] =	sst s4  }
0xd: {  	[smem:$0x3FB2] =	sst s5  }
0xe: {  	[smem:$0x3FB3] =	sst s6  }
0xf: {  	[smem:$0x3FB4] =	sst s7  }
0x10: {  	[smem:$0x3FB5] =	sst s8  }
0x11: {  	[smem:$0x3FB6] =	sst s9;
	s0 =	simm.s32 @!p0 $0x0  }
0x12: {  	s1 =	sld [smem:$0x3F9C];
	s0 =	simm.s32 @p0 $0x1  }
0x13: {  	[smem:$0x3FB7] =	sst s0;
	s0 =	simm.s32 @!p1 $0x0  }
0x14: {  	s2 =	sld [smem:$0x3F9B];
	s0 =	simm.s32 @p1 $0x1  }
0x15: {  	[smem:$0x3FB8] =	sst s0;
	s0 =	simm.s32 @!p2 $0x0  }
0x16: {  	s3 =	sld [smem:$0x3FDB];
	s0 =	simm.s32 @p2 $0x1  }
0x17: {  	s4 =	simm.s32 $0x1BF5;
	[smem:$0x3FBA] =	sst s0  }
0x18: {  	s0 =	sld [smem:$0x3F9D];
	_ =	swait.ge [sflag:s4], $0x0  }
0x19: {  	s7 =	sld [smem:$0x3F9E]  }
0x1a: {  	s8 =	sadd.s32 $0xFFFFE003, lr  }
0x1b: {  	s9 =	sadd.s32 $0xFFFFFEF7, lr;
	s5 =	simm.s32 $0xFFFFFFFF;
	p2 =	slt.u32 s8, $0xFFFFF086  }
0x1c: {  	p1 =	slt.u32 s9, $0xF7A;
	s5 =	simm.s32 @!p2 $0x0  }
0x1d: {  	s5 =	simm.s32 @p1 $0x1;
	p0 =	seq.s32 s7, s2  }
0x1e: {  	s7 =	smul.u32 @!p0 $0xF7A, s2;
	p2 =	seq.s32 @!p0 s5, $0x0  }
0x1f: {  	s9 =	smul.u32 $0xF7A, s1;
	s8 =	simm.s32 @!p0 $0x1BF5;
	p2 =	por !p2, p0  }
0x20: {  	[sflag:s8] =	ssyncset.s32 @!p0 $0xFFFFF086;
	s6 =	sadd.s32 @!p0 s3, s7;
	s7 =	simm.s32 @!p0 $0x108  }
0x21: {  	s3 =	sadd.s32 s3, s9;
	s6 =	sadd.s32 @!p0 $0x88, s6;
	s7 =	simm.s32 @p2 $0x1082  }
0x22: {  	[simem:s7], [sflag:s8] =	dma.local @!p0 [hbm:s6], $0xF7A  }
0x23: {  	s9 =	sor.u32 $0xD0000000, s2;
	s6 =	simm.s32 $0x108;
	_ =	swait.ge @!p0 [sflag:s8], $0x0  }
0x24: {  	s3 =	sadd.s32 $0x88, s3;
	s6 =	simm.s32 @!p1 $0x1082;
	[sflag:s4] =	ssyncset.s32 $0xFFFFF086  }
0x25: {  	[simem:s6], [sflag:s4] =	dma.local [hbm:s3], $0xF7A  }
0x26: {  	[smem:$0x3F9E] =	sst s1;
	(tag) =	ssettag s2;
	_ =	strace s9  }
0x27: {  	s1 =	sld [smem:$0x3FAE]  }
0x28: {  	s2 =	sld [smem:$0x3FAF]  }
0x29: {  	s4 =	sld [smem:$0x3FB1]  }
0x2a: {  	p0 =	seq.s32 s5, $0x0;
	s5 =	sld [smem:$0x3FB2]  }
0x2b: {  	s6 =	sld [smem:$0x3FB3]  }
0x2c: {  	s7 =	sld [smem:$0x3FB4]  }
0x2d: {  	s3 =	simm.s32 $0x108;
	s8 =	sld [smem:$0x3FB5]  }
0x2e: {  	s3 =	simm.s32 @!p0 $0x1082;
	s9 =	sld [smem:$0x3FB6]  }
0x2f: {  	lr =	sadd.s32 s0, s3;
	s0 =	sld [smem:$0x3FAD]  }
0x30: {  	s3 =	sld [smem:$0x3FB0]  }
0x31: {  	[smem:$0x3FB9] =	sst s10  }
0x32: {  	s10 =	sld [smem:$0x3FB7];
	_ =	sdelay $0x3  }
0x33: {  	p0 =	seq.s32 s10, $0x1;
	s10 =	sld [smem:$0x3FB9];
	_ =	sdelay $0x3  }
0x34: {  	[smem:$0x3FB9] =	sst s10  }
0x35: {  	s10 =	sld [smem:$0x3FB8];
	_ =	sdelay $0x3  }
0x36: {  	p1 =	seq.s32 s10, $0x1;
	s10 =	sld [smem:$0x3FB9];
	_ =	sdelay $0x3  }
0x37: {  	[smem:$0x3FB9] =	sst s10  }
0x38: {  	s10 =	sld [smem:$0x3FBA]  }
0x39: {  	_ = 	snop;
	(pc) =	sbr.ind lr, $3  }
0x3a: {  	_ = 	snop  }
0x3b: {  	_ = 	snop  }
0x3c: {  	p2 =	seq.s32 s10, $0x1;
	s10 =	sld [smem:$0x3FB9]  }
0x3d: {  	_ =	shalt  }
0x3e: {  	_ =	shalt  }
0x3f: {  	_ =	shalt  }
0x40: {  	_ =	shalt  }
0x41: {  	_ =	shalt  }
0x42: {  	_ =	shalt  }
0x43: {  	_ =	shalt  }
0x44: {  	_ =	shalt  }
0x45: {  	_ =	shalt  }
0x46: {  	_ =	shalt  }
0x47: {  	_ =	shalt  }
0x48: {  	_ =	shalt  }
0x49: {  	_ =	shalt  }
0x4a: {  	_ =	shalt  }
0x4b: {  	_ =	shalt  }
0x4c: {  	_ =	shalt  }
0x4d: {  	_ =	shalt  }
0x4e: {  	_ =	shalt  }
0x4f: {  	_ =	shalt  }
0x50: {  	_ =	shalt  }
0x51: {  	_ =	shalt  }
0x52: {  	_ =	shalt  }
0x53: {  	_ =	shalt  }
0x54: {  	_ =	shalt  }
0x55: {  	_ =	shalt  }
0x56: {  	_ =	shalt  }
0x57: {  	_ =	shalt  }
0x58: {  	_ =	shalt  }
0x59: {  	_ =	shalt  }
0x5a: {  	_ =	shalt  }
0x5b: {  	_ =	shalt  }
0x5c: {  	_ =	shalt  }
0x5d: {  	_ =	shalt  }
0x5e: {  	_ =	shalt  }
0x5f: {  	_ =	shalt  }
0x60: {  	_ =	shalt  }
0x61: {  	_ =	shalt  }
0x62: {  	_ =	shalt  }
0x63: {  	_ =	shalt  }
0x64: {  	_ =	shalt  }
0x65: {  	_ =	shalt  }
0x66: {  	_ =	shalt  }
0x67: {  	_ =	shalt  }
0x68: {  	_ =	shalt  }
0x69: {  	_ =	shalt  }
0x6a: {  	_ =	shalt  }
0x6b: {  	_ =	shalt  }
0x6c: {  	_ =	shalt  }
0x6d: {  	_ =	shalt  }
0x6e: {  	_ =	shalt  }
0x6f: {  	_ =	shalt  }
0x70: {  	_ =	shalt  }
0x71: {  	_ =	shalt  }
0x72: {  	_ =	shalt  }
0x73: {  	_ =	shalt  }
0x74: {  	_ =	shalt  }
0x75: {  	_ =	shalt  }
0x76: {  	_ =	shalt  }
0x77: {  	_ =	shalt  }
0x78: {  	_ =	shalt  }
0x79: {  	_ =	shalt  }
0x7a: {  	_ =	shalt  }
0x7b: {  	_ =	shalt  }
0x7c: {  	_ =	shalt  }
0x7d: {  	_ =	shalt  }
0x7e: {  	_ =	shalt  }
0x7f: {  	_ =	shalt  }
0x80: {  	_ =	shalt  }
0x81: {  	_ =	shalt  }
0x82: {  	_ =	shalt  }
0x83: {  	_ =	shalt  }
0x84: {  	_ =	shalt  }
0x85: {  	_ =	shalt  }
0x86: {  	_ =	shalt  }
0x87: {  	_ =	shalt  }
.Lfunc_end0:
.L_simem_size_0:
called_computation_lowered:
.L_overlay_start_0:
0x88: {  	s2 =	sld [smem:$0x3FD9]  }
0x89: {  	s3 =	sld [smem:$0x3FFE];
	_ =	sdelay $0x1  }
0x8a: {  	s1 =	srdreg.scid  }
0x8b: {  	s0 =	sand.u32 $0x1, s1  }
0x8c: {  	s17 =	sshll.u32 s0, $0xA;
	s2 =	sadd.s32 s3, s2  }
0x8d: {  	s2 =	sadd.s32 s2, s17  }
0x8e: {  	[smem:$0x3FC5] =	sst s2  }
0x8f: {  	_ = 	snop  }
0x90: {  	s2 =	sld [smem:$0x3FC9]  }
0x91: {  	s18 =	sld [smem:$0x3FC8]  }
0x92: {  	s4 =	sld [smem:$0x3FC7];
	(tm) =	ssettm $0x1  }
0x93: {  	s5 =	sld [smem:$0x3FFB];
	_ =	sdelay $0x3  }
0x94: {  	_ =	strace s5  }
0x95: {  	s5 =	sld [smem:$0x3FFC];
	_ =	sdelay $0x3  }
0x96: {  	_ =	strace s5  }
0x97: {  	s5 =	sld [smem:$0x3FFD];
	_ =	sdelay $0x3  }
0x98: {  	_ =	strace s5  }
0x99: {  	_ =	strace $0x8FFFFFFF  }
0x9a: {  	s19 =	sld [smem:$0x3FDB];
	_ =	sdelay $0x1  }
0x9b: {  	s6 =	simm.s32 $_scs_section_size  }
0x9c: {  	s7 =	simm.s32 $_size__tile_overlayer_lowered;
	s8 =	simm.s32 $_tile_overlayer_lowered  }
0x9d: {  	s22 =	simm.s32 $0x1BFF;
	s21 =	sshll.u32 s8, $0x1;
	s5 =	sadd.s32 s6, s19  }
0x9e: {  	s9 =	simm.s32 $0x0;
	s20 =	sshll.u32 s7, $0x1;
	s7 =	sadd.s32 s21, s5  }
0x9f: {  	[timem:s9], [sflag:s22] =	dma.local [hbm:s7], s20  }
0xa0: {  	_ =	swait.ge [sflag:s22], s20  }
0xa1: {  	s6 =	ssub.s32 $0x0, s20;
	[sflag:s22] =	ssyncset.done $0x0  }
0xa2: {  	[sflag:s22] =	ssyncadd.s32 s6;
	_ =	sdelay $0x1  }
0xa3: {  	s23 =	simm.s32 $0x1B8B  }
0xa4: {  	_ =	swait.ge [sflag:s23], $0x1  }
0xa5: {  	[sflag:s23] =	ssyncset.done $0x0  }
0xa6: {  	s25 =	simm.s32 $0x1B8E;
	s24 =	sld [smem:$0x3FFE];
	[sflag:s23] =	ssyncadd.s32 $0xFFFFFFFF  }
0xa7: {  	s26 =	simm.s32 $execute0_lowered;
	[smem:$0x3FD2] =	sst s25  }
0xa8: {  	s7 =	sshll.u32 s26, $0x1;
	_ =	strace $0x80000046;
	[dreg:$0x1] =	wrdreg $0xFFFFFFFF  }
0xa9: {  	s28 =	simm.s32 $_size_execute0_lowered;
	s5 =	sadd.s32 s5, s7;
	[dreg:$0x0] =	wrdreg $0x0  }
0xaa: {  	s7 =	sshll.u32 s28, $0x1;
	[dreg:$0x2] =	wrdreg s5  }
0xab: {  	[dreg:$0x3] =	wrdreg s7  }
0xac: {  	[dreg:$0x4] =	wrdreg $0xC0  }
0xad: {  	_ =	task [dreg:s9], $0x5FFFF  }
0xae: {  	[dreg:$0x1] =	wrdreg $0xFFFFFFFF  }
0xaf: {  	[dreg:$0x0] =	wrdreg $0x60  }
0xb0: {  	[dreg:$0x2] =	wrdreg s2  }
0xb1: {  	[dreg:$0x3] =	wrdreg s18  }
0xb2: {  	[dreg:$0x4] =	wrdreg s4  }
0xb3: {  	[dreg:$0x5] =	wrdreg s24  }
0xb4: {  	[dreg:$0x6] =	wrdreg $0x9  }
0xb5: {  	_ =	task.clear_ibuf [dreg:s9], $0x7FFFF;
	_ =	strace $0x90000046  }
0xb6: {  	s29 =	simm.s32 $0x9;
	_ =	strace $0x80000048  }
0xb7: {  	_ =	swait.ge [sflag:s29], $0x1  }
0xb8: {  	[sflag:s29] =	ssyncadd.s32 $0xFFFFFFFF  }
0xb9: {  	_ =	strace $0x90000048  }
0xba: {  	_ =	sfence  }
0xbb: {  	s30 =	sld [smem:$0x0];
	_ =	sdelay $0x2  }
0xbc: {  	s31 =	sshll.u32 s1, $0xD;
	s1 =	sshrl.u32 s1, $0x2  }
0xbd: {  	s3 =	sand.u32 $0x4000, s31;
	s1 =	sadd.s32 s1, s30  }
0xbe: {  	s0 =	sor.u32 s3, s0;
	s1 =	sshll.u32 s1, $0x11  }
0xbf: {  	s0 =	sor.u32 s1, s0  }
0xc0: {  	s0 =	sadd.s32 $0x8F2B, s0  }
0xc1: {  	[sflag:s0] =	ssyncadd.remote.s32 $0x1  }
0xc2: {  	_ =	sfence.sel $0xFFFF  }
0xc3: {  	[dreg:$0x0] =	wrdreg $0xFFFFFFFF;
	(pc) =	sbr.abs _section_cstart, $3  }
0xc4: {  	[dreg:$0x1] =	wrdreg $0xFFFFFFFF  }
0xc5: {  	_ =	task.clear_ibuf [dreg:s9], $0x2FFFF;
	_ =	strace $0x9FFFFFFF  }
0xc6: {  	(tm) =	ssettm $0x7FFFFFFF  }
0xc7: {  	_ =	shalt  }
tec
execute0_lowered:
.L_overlay_start_1:
0x0: {  	(tag) =	ssettag $0x1  }
0x1: {  	s4 =	rddreg [dreg:$0x0]  }
0x2: {  	s5 =	rddreg [dreg:$0x1]  }
0x3: {  	s2 =	rddreg [dreg:$0x2]  }
0x4: {  	s9 =	rddreg [dreg:$0x3]  }
0x5: {  	s0 =	rddreg [dreg:$0x4]  }
0x6: {  	s6 =	srdreg.scid;
	s1 =	stileid.u32  }
0x7: {  	s3 =	simm.s32 $0x0;
	s12 =	simm.s32 $0x200;
	s13 =	simm.s32 $0x80  }
0x8: {  	s14 =	simm.s32 $0x8200;
	s15 =	simm.s32 $0x4200;
	s16 =	simm.s32 $0xC200  }
0x9: {  	s17 =	simm.s32 $0x1;
	s18 =	simm.s32 $0x3;
	s19 =	simm.s32 $0x100  }
0xa: {  	s20 =	simm.s32 $0x2;
	s21 =	simm.s32 $0x4;
	s22 =	simm.s32 $0x180  }
0xb: {  	s23 =	simm.s32 $0x10200;
	s24 =	simm.s32 $0x0;
	s6 =	sand.u32 $0x1, s6  }
0xc: {  	s7 =	sshll.u32 s1, $0x1;
	[smem:$0x7FF] =	sst s3;
	s8 =	ssub.s32 $0x2, s6  }
0xd: {  	s7 =	sor.u32 s6, s7;
	_ =	strace $0x80000047;
	s29 =	sshrl.u32 s8, $0x1  }
0xe: {  	s10 =	sshll.u32 s7, $0xD;
	s30 =	sshll.u32 s7, $0x6;
	s31 =	sshll.u32 s7, $0x4  }
0xf: {  	s11 =	ssub.s32 s8, s29;
	s4 =	sadd.s32 s4, s10;
	s5 =	sadd.s32 s5, s30  }
0x10: {  	s9 =	sadd.s32 s9, s31;
	s6 =	sadd.s32 $0x800, s4;
	s7 =	sadd.s32 $0x1000, s4  }
0x11: {  	s8 =	sadd.s32 $0x1800, s4;
	s10 =	smax.u32 s11, $0x1;
	s11 =	simm.s32 $0x5  }
.LBB2_1:
0x12: {  	[tilespmem:s3], [sflag:$0x5] =	stream.linear.gather [hbm4b:s5+s3], $0x200, $0x38;
	[tilespmem:$0x10280] =	vst v63  }
0x13: {  	_ =	swait.ge [sflag:s11], $0x200  }
0x14: {  	[sflag:s11] =	ssyncset.done $0x0  }
0x15: {  	[sflag:s11] =	ssyncadd.s32 $0xFFFFFE00  }
0x16: {  	[tilespmem:s12], [sflag:$0x1] =	stream.linear.gather [hbm4b:s4+s3], $0x4000, $0x38;
	[tilespmem:$0x10280] =	vst v63  }
0x17: {  	_ = 	snop  }
0x18: {  	[tilespmem:s14], [sflag:$0x3] =	stream.indirect.gather [hbm4b:s2+s13], $0x80, s3, s13, $0xb8;
	[tilespmem:$0x10280] =	vst v63  }
0x19: {  	_ = 	snop  }
0x1a: {  	[tilespmem:s15], [sflag:$0x2] =	stream.linear.gather [hbm4b:s6+s3], $0x4000, $0x38;
	[tilespmem:$0x10280] =	vst v63  }
0x1b: {  	_ = 	snop  }
0x1c: {  	[tilespmem:s16], [sflag:$0x4] =	stream.indirect.gather [hbm4b:s2+s13], $0x80, s13, s13, $0xb8;
	[tilespmem:$0x10280] =	vst v63  }
0x1d: {  	_ =	swait.ge [sflag:s17], $0x4000  }
0x1e: {  	[sflag:s17] =	ssyncset.done $0x0  }
0x1f: {  	[sflag:s17] =	ssyncadd.s32 $0xFFFFC000  }
0x20: {  	_ =	swait.ge [sflag:s18], $0x4000  }
0x21: {  	[sflag:s18] =	ssyncset.done $0x0  }
0x22: {  	s26 =	simm.s32 $0x0;
	[sflag:s18] =	ssyncadd.s32 $0xFFFFC000  }
0x23: {  	v0 =	vld [tilespmem:s26+$0x200]  }
0x24: {  	v1 =	vld [tilespmem:s26+$0x8200]  }
0x25: {  	v2 =	vld [tilespmem:s26+$0x210]  }
0x26: {  	v3 =	vld [tilespmem:s26+$0x8210]  }
0x27: {  	v4 =	vld [tilespmem:s26+$0x220]  }
0x28: {  	v5 =	vld [tilespmem:s26+$0x8220]  }
0x29: {  	v6 =	vld [tilespmem:s26+$0x8230];
	v0 =	vsub.f32 v0, v1  }
0x2a: {  	v1 =	vld [tilespmem:s26+$0x230]  }
0x2b: {  	v7 =	vld [tilespmem:s26+$0x240];
	v2 =	vsub.f32 v2, v3;
	v0 =	vmul.f32 v0, v0  }
0x2c: {  	v8 =	vld [tilespmem:s26+$0x8240];
	v3 =	vimm.f32 $0.0e+00  }
0x2d: {  	v9 =	vld [tilespmem:s26+$0x250];
	v2 =	vmul.f32 v2, v2;
	v0 =	vadd.f32 v0, v3;
	v3 =	vsub.f32 v4, v5  }
0x2e: {  	v10 =	vld [tilespmem:s26+$0x8250]  }
0x2f: {  	v1 =	vsub.f32 v1, v6;
	v2 =	vadd.f32 v2, v0;
	v4 =	vmul.f32 v3, v3;
	v0 =	vld [tilespmem:s26+$0x260]  }
0x30: {  	v3 =	vld [tilespmem:s26+$0x8260]  }
0x31: {  	v7 =	vsub.f32 v7, v8;
	v6 =	vmul.f32 v1, v1;
	v1 =	vld [tilespmem:s26+$0x270];
	v5 =	vadd.f32 v4, v2  }
0x32: {  	s25 =	simm.s32 $0x80;
	v4 =	vld [tilespmem:s26+$0x8270]  }
0x33: {  	v2 =	vld [tilespmem:s25+$0x200];
	s26 =	simm.s32 $0x400;
	v5 =	vadd.f32 v6, v5;
	v6 =	vmul.f32 v7, v7;
	v7 =	vsub.f32 v9, v10  }
.LBB2_2:
0x34: {  	p0 =	sne.s32 s26, $0xFE00;
	v8 =	vld [tilespmem:s25+$0x8200]  }
0x35: {  	v9 =	vld [tilespmem:s25+$0x210];
	v5 =	vadd.f32 v6, v5;
	v6 =	vmul.f32 v7, v7;
	v0 =	vsub.f32 v0, v3  }
0x36: {  	v3 =	vld [tilespmem:s25+$0x8210]  }
0x37: {  	v7 =	vld [tilespmem:s25+$0x220];
	v5 =	vadd.f32 v6, v5;
	v0 =	vmul.f32 v0, v0;
	v1 =	vsub.f32 v1, v4  }
0x38: {  	v4 =	vld [tilespmem:s25+$0x8220]  }
0x39: {  	v2 =	vsub.f32 v2, v8;
	v6 =	vld [tilespmem:s25+$0x230];
	v0 =	vadd.f32 v0, v5;
	v1 =	vmul.f32 v1, v1  }
0x3a: {  	v5 =	vld [tilespmem:s25+$0x8230]  }
0x3b: {  	v2 =	vmul.f32 v2, v2;
	v3 =	vsub.f32 v9, v3;
	v8 =	vld [tilespmem:s25+$0x240];
	v0 =	vadd.f32 v1, v0  }
0x3c: {  	v1 =	vld [tilespmem:s25+$0x8240]  }
0x3d: {  	v0 =	vadd.f32 v2, v0;
	v2 =	vmul.f32 v3, v3;
	v3 =	vsub.f32 v7, v4;
	v7 =	vld [tilespmem:s25+$0x250]  }
0x3e: {  	v9 =	vld [tilespmem:s25+$0x8250]  }
.Ltmp0:
0x3f: {  	v2 =	vadd.f32 v2, v0;
	v4 =	vmul.f32 v3, v3;
	v5 =	vsub.f32 v6, v5;
	v0 =	vld [tilespmem:s25+$0x260];
	(pc) =	sbr.rel @p0 .LBB2_2-.Ltmp0, $4  }
0x40: {  	v3 =	vld [tilespmem:s25+$0x8260]  }
0x41: {  	v6 =	vadd.f32 v4, v2;
	v5 =	vmul.f32 v5, v5;
	v8 =	vsub.f32 v8, v1;
	v1 =	vld [tilespmem:s25+$0x270]  }
0x42: {  	v4 =	vld [tilespmem:s25+$0x8270];
	s25 =	sshra.s32 s26, $0x2  }
0x43: {  	s26 =	sadd.s32 $0x200, s26;
	v2 =	vld [tilespmem:s25+$0x200];
	v5 =	vadd.f32 v5, v6;
	v6 =	vmul.f32 v8, v8;
	v7 =	vsub.f32 v7, v9  }
0x44: {  	v8 =	vld [tilespmem:s25+$0x8200]  }
0x45: {  	v9 =	vld [tilespmem:s25+$0x210]  }
0x46: {  	v10 =	vld [tilespmem:s25+$0x8210]  }
0x47: {  	v11 =	vld [tilespmem:s25+$0x220]  }
0x48: {  	v12 =	vld [tilespmem:s25+$0x8220]  }
0x49: {  	v13 =	vld [tilespmem:s25+$0x230]  }
0x4a: {  	v14 =	vld [tilespmem:s25+$0x8230]  }
0x4b: {  	v15 =	vld [tilespmem:s25+$0x240]  }
0x4c: {  	v16 =	vld [tilespmem:s25+$0x8240]  }
0x4d: {  	v17 =	vld [tilespmem:s25+$0x250];
	v5 =	vadd.f32 v6, v5;
	v6 =	vmul.f32 v7, v7;
	v0 =	vsub.f32 v0, v3  }
0x4e: {  	v3 =	vld [tilespmem:s25+$0x8250]  }
0x4f: {  	v7 =	vld [tilespmem:s25+$0x260];
	v5 =	vadd.f32 v6, v5;
	v0 =	vmul.f32 v0, v0;
	v1 =	vsub.f32 v1, v4  }
0x50: {  	v4 =	vld [tilespmem:s25+$0x8260]  }
0x51: {  	s31 =	simm.s32 $0x0;
	v6 =	vld [tilespmem:s25+$0x270];
	v2 =	vsub.f32 v2, v8;
	v0 =	vadd.f32 v0, v5;
	v1 =	vmul.f32 v1, v1  }
0x52: {  	v5 =	vld [tilespmem:s25+$0x8270];
	[tilespmem:s12], [sflag:$0x1] =	stream.linear.gather [hbm4b:s7+s31], $0x4000, $0x38  }
0x53: {  	v8 =	vsub.f32 v9, v10;
	v0 =	vadd.f32 v1, v0;
	v1 =	vmul.f32 v2, v2  }
0x54: {  	[tilespmem:s14], [sflag:$0x3] =	stream.indirect.gather [hbm4b:s2+s13], $0x80, s19, s13, $0xb8;
	[tilespmem:$0x10280] =	vst v63  }
0x55: {  	v2 =	vmul.f32 v8, v8;
	_ =	swait.ge [sflag:s20], $0x4000;
	v0 =	vadd.f32 v1, v0;
	v1 =	vsub.f32 v11, v12  }
0x56: {  	[sflag:s20] =	ssyncset.done $0x0  }
0x57: {  	[sflag:s20] =	ssyncadd.s32 $0xFFFFC000;
	v0 =	vadd.f32 v2, v0;
	v2 =	vsub.f32 v13, v14;
	v1 =	vmul.f32 v1, v1  }
0x58: {  	_ =	swait.ge [sflag:s21], $0x4000  }
0x59: {  	[sflag:s21] =	ssyncset.done $0x0;
	v0 =	vadd.f32 v1, v0;
	v1 =	vmul.f32 v2, v2;
	v2 =	vsub.f32 v15, v16  }
0x5a: {  	s26 =	simm.s32 $0x0;
	[sflag:s21] =	ssyncadd.s32 $0xFFFFC000  }
0x5b: {  	v8 =	vld [tilespmem:s26+$0xC200];
	v0 =	vadd.f32 v1, v0;
	v1 =	vmul.f32 v2, v2;
	v2 =	vsub.f32 v17, v3  }
0x5c: {  	v3 =	vld [tilespmem:s26+$0x4200]  }
0x5d: {  	v0 =	vadd.f32 v1, v0;
	v1 =	vmul.f32 v2, v2;
	v2 =	vsub.f32 v7, v4;
	v4 =	vld [tilespmem:s26+$0x4210]  }
0x5e: {  	v7 =	vld [tilespmem:s26+$0xC210]  }
0x5f: {  	v0 =	vadd.f32 v1, v0;
	v1 =	vmul.f32 v2, v2;
	v2 =	vsub.f32 v6, v5;
	v5 =	vld [tilespmem:s26+$0x4220]  }
0x60: {  	v6 =	vld [tilespmem:s26+$0xC220]  }
0x61: {  	v0 =	vadd.f32 v1, v0;
	v1 =	vmul.f32 v2, v2;
	v2 =	vsub.f32 v3, v8;
	v3 =	vld [tilespmem:s26+$0x4230]  }
0x62: {  	v8 =	vld [tilespmem:s26+$0xC230]  }
0x63: {  	v0 =	vadd.f32 v1, v0;
	v1 =	vmul.f32 v2, v2;
	v2 =	vsub.f32 v4, v7;
	v4 =	vld [tilespmem:s26+$0x4240]  }
0x64: {  	v7 =	vld [tilespmem:s26+$0xC240]  }
0x65: {  	v62 =	vld [tilespmem:s26+$0x4250];
	v0 =	vadd.f32 v1, v0;
	v1 =	vmul.f32 v2, v2;
	v2 =	vsub.f32 v5, v6  }
0x66: {  	v63 =	vld [tilespmem:s26+$0xC250]  }
0x67: {  	v5 =	vsub.f32 v3, v8;
	v3 =	vld [tilespmem:s26+$0xC260];
	v1 =	vadd.f32 v1, v0;
	v2 =	vmul.f32 v2, v2  }
0x68: {  	v0 =	vld [tilespmem:s26+$0x4260]  }
0x69: {  	v5 =	vmul.f32 v5, v5;
	v7 =	vsub.f32 v4, v7;
	v4 =	vld [tilespmem:s26+$0xC270];
	v6 =	vadd.f32 v2, v1  }
0x6a: {  	s25 =	simm.s32 $0x80;
	v1 =	vld [tilespmem:s26+$0x4270]  }
0x6b: {  	v2 =	vld [tilespmem:s25+$0x4200];
	s26 =	simm.s32 $0x400;
	v5 =	vadd.f32 v5, v6;
	v6 =	vmul.f32 v7, v7;
	v7 =	vsub.f32 v62, v63  }
.LBB2_4:
0x6c: {  	p0 =	sne.s32 s26, $0xFE00;
	v8 =	vld [tilespmem:s25+$0xC200]  }
0x6d: {  	v9 =	vld [tilespmem:s25+$0x4210];
	v5 =	vadd.f32 v6, v5;
	v6 =	vmul.f32 v7, v7;
	v0 =	vsub.f32 v0, v3  }
0x6e: {  	v3 =	vld [tilespmem:s25+$0xC210]  }
0x6f: {  	v7 =	vld [tilespmem:s25+$0x4220];
	v5 =	vadd.f32 v6, v5;
	v0 =	vmul.f32 v0, v0;
	v1 =	vsub.f32 v1, v4  }
0x70: {  	v4 =	vld [tilespmem:s25+$0xC220]  }
0x71: {  	v2 =	vsub.f32 v2, v8;
	v6 =	vld [tilespmem:s25+$0x4230];
	v0 =	vadd.f32 v0, v5;
	v1 =	vmul.f32 v1, v1  }
0x72: {  	v5 =	vld [tilespmem:s25+$0xC230]  }
0x73: {  	v2 =	vmul.f32 v2, v2;
	v3 =	vsub.f32 v9, v3;
	v8 =	vld [tilespmem:s25+$0x4240];
	v0 =	vadd.f32 v1, v0  }
0x74: {  	v1 =	vld [tilespmem:s25+$0xC240]  }
0x75: {  	v0 =	vadd.f32 v2, v0;
	v2 =	vmul.f32 v3, v3;
	v3 =	vsub.f32 v7, v4;
	v7 =	vld [tilespmem:s25+$0x4250]  }
0x76: {  	v9 =	vld [tilespmem:s25+$0xC250]  }
.Ltmp1:
0x77: {  	v2 =	vadd.f32 v2, v0;
	v4 =	vmul.f32 v3, v3;
	v5 =	vsub.f32 v6, v5;
	v0 =	vld [tilespmem:s25+$0x4260];
	(pc) =	sbr.rel @p0 .LBB2_4-.Ltmp1, $4  }
0x78: {  	v3 =	vld [tilespmem:s25+$0xC260]  }
0x79: {  	v6 =	vadd.f32 v4, v2;
	v5 =	vmul.f32 v5, v5;
	v8 =	vsub.f32 v8, v1;
	v1 =	vld [tilespmem:s25+$0x4270]  }
0x7a: {  	v4 =	vld [tilespmem:s25+$0xC270];
	s25 =	sshra.s32 s26, $0x2  }
0x7b: {  	s26 =	sadd.s32 $0x200, s26;
	v2 =	vld [tilespmem:s25+$0x4200];
	v5 =	vadd.f32 v5, v6;
	v6 =	vmul.f32 v8, v8;
	v7 =	vsub.f32 v7, v9  }
0x7c: {  	v8 =	vld [tilespmem:s25+$0xC200]  }
0x7d: {  	v9 =	vld [tilespmem:s25+$0x4210]  }
0x7e: {  	v10 =	vld [tilespmem:s25+$0xC210]  }
0x7f: {  	v11 =	vld [tilespmem:s25+$0x4220]  }
0x80: {  	v12 =	vld [tilespmem:s25+$0xC220]  }
0x81: {  	v13 =	vld [tilespmem:s25+$0x4230]  }
0x82: {  	v14 =	vld [tilespmem:s25+$0xC230]  }
0x83: {  	v15 =	vld [tilespmem:s25+$0x4240]  }
0x84: {  	v16 =	vld [tilespmem:s25+$0xC240]  }
0x85: {  	v17 =	vld [tilespmem:s25+$0x4250];
	v5 =	vadd.f32 v6, v5;
	v6 =	vmul.f32 v7, v7;
	v0 =	vsub.f32 v0, v3  }
0x86: {  	v3 =	vld [tilespmem:s25+$0xC250]  }
0x87: {  	v7 =	vld [tilespmem:s25+$0x4260];
	v5 =	vadd.f32 v6, v5;
	v0 =	vmul.f32 v0, v0;
	v1 =	vsub.f32 v1, v4  }
0x88: {  	v4 =	vld [tilespmem:s25+$0xC260]  }
0x89: {  	s31 =	simm.s32 $0x0;
	v6 =	vld [tilespmem:s25+$0x4270];
	v2 =	vsub.f32 v2, v8;
	v0 =	vadd.f32 v0, v5;
	v1 =	vmul.f32 v1, v1  }
0x8a: {  	v5 =	vld [tilespmem:s25+$0xC270];
	[tilespmem:s15], [sflag:$0x2] =	stream.linear.gather [hbm4b:s8+s31], $0x4000, $0x38  }
0x8b: {  	v8 =	vsub.f32 v9, v10;
	v0 =	vadd.f32 v1, v0;
	v1 =	vmul.f32 v2, v2  }
0x8c: {  	[tilespmem:s16], [sflag:$0x4] =	stream.indirect.gather [hbm4b:s2+s13], $0x80, s22, s13, $0xb8;
	[tilespmem:$0x10280] =	vst v63  }
0x8d: {  	v2 =	vmul.f32 v8, v8;
	_ =	swait.ge [sflag:s17], $0x4000;
	v0 =	vadd.f32 v1, v0;
	v1 =	vsub.f32 v11, v12  }
0x8e: {  	[sflag:s17] =	ssyncset.done $0x0  }
0x8f: {  	[sflag:s17] =	ssyncadd.s32 $0xFFFFC000;
	v0 =	vadd.f32 v2, v0;
	v2 =	vsub.f32 v13, v14;
	v1 =	vmul.f32 v1, v1  }
0x90: {  	_ =	swait.ge [sflag:s18], $0x4000  }
0x91: {  	[sflag:s18] =	ssyncset.done $0x0;
	v0 =	vadd.f32 v1, v0;
	v1 =	vmul.f32 v2, v2;
	v2 =	vsub.f32 v15, v16  }
0x92: {  	s26 =	simm.s32 $0x0;
	[sflag:s18] =	ssyncadd.s32 $0xFFFFC000  }
0x93: {  	v8 =	vld [tilespmem:s26+$0x8200];
	v0 =	vadd.f32 v1, v0;
	v1 =	vmul.f32 v2, v2;
	v2 =	vsub.f32 v17, v3  }
0x94: {  	v3 =	vld [tilespmem:s26+$0x200]  }
0x95: {  	v0 =	vadd.f32 v1, v0;
	v1 =	vmul.f32 v2, v2;
	v2 =	vsub.f32 v7, v4;
	v4 =	vld [tilespmem:s26+$0x210]  }
0x96: {  	v7 =	vld [tilespmem:s26+$0x8210]  }
0x97: {  	v0 =	vadd.f32 v1, v0;
	v1 =	vmul.f32 v2, v2;
	v2 =	vsub.f32 v6, v5;
	v5 =	vld [tilespmem:s26+$0x220]  }
0x98: {  	v6 =	vld [tilespmem:s26+$0x8220]  }
0x99: {  	v0 =	vadd.f32 v1, v0;
	v1 =	vmul.f32 v2, v2;
	v2 =	vsub.f32 v3, v8;
	v3 =	vld [tilespmem:s26+$0x230]  }
0x9a: {  	v8 =	vld [tilespmem:s26+$0x8230]  }
0x9b: {  	v0 =	vadd.f32 v1, v0;
	v1 =	vmul.f32 v2, v2;
	v2 =	vsub.f32 v4, v7;
	v4 =	vld [tilespmem:s26+$0x240]  }
0x9c: {  	v7 =	vld [tilespmem:s26+$0x8240]  }
0x9d: {  	v62 =	vld [tilespmem:s26+$0x250];
	v0 =	vadd.f32 v1, v0;
	v1 =	vmul.f32 v2, v2;
	v2 =	vsub.f32 v5, v6  }
0x9e: {  	v63 =	vld [tilespmem:s26+$0x8250]  }
0x9f: {  	v5 =	vsub.f32 v3, v8;
	v3 =	vld [tilespmem:s26+$0x8260];
	v1 =	vadd.f32 v1, v0;
	v2 =	vmul.f32 v2, v2  }
0xa0: {  	v0 =	vld [tilespmem:s26+$0x260]  }
0xa1: {  	v5 =	vmul.f32 v5, v5;
	v7 =	vsub.f32 v4, v7;
	v4 =	vld [tilespmem:s26+$0x8270];
	v6 =	vadd.f32 v2, v1  }
0xa2: {  	s25 =	simm.s32 $0x80;
	v1 =	vld [tilespmem:s26+$0x270]  }
0xa3: {  	v2 =	vld [tilespmem:s25+$0x200];
	s26 =	simm.s32 $0x400;
	v5 =	vadd.f32 v5, v6;
	v6 =	vmul.f32 v7, v7;
	v7 =	vsub.f32 v62, v63  }
.LBB2_6:
0xa4: {  	p0 =	sne.s32 s26, $0xFE00;
	v8 =	vld [tilespmem:s25+$0x8200]  }
0xa5: {  	v9 =	vld [tilespmem:s25+$0x210];
	v5 =	vadd.f32 v6, v5;
	v6 =	vmul.f32 v7, v7;
	v0 =	vsub.f32 v0, v3  }
0xa6: {  	v3 =	vld [tilespmem:s25+$0x8210]  }
0xa7: {  	v7 =	vld [tilespmem:s25+$0x220];
	v5 =	vadd.f32 v6, v5;
	v0 =	vmul.f32 v0, v0;
	v1 =	vsub.f32 v1, v4  }
0xa8: {  	v4 =	vld [tilespmem:s25+$0x8220]  }
0xa9: {  	v2 =	vsub.f32 v2, v8;
	v6 =	vld [tilespmem:s25+$0x230];
	v0 =	vadd.f32 v0, v5;
	v1 =	vmul.f32 v1, v1  }
0xaa: {  	v5 =	vld [tilespmem:s25+$0x8230]  }
0xab: {  	v2 =	vmul.f32 v2, v2;
	v3 =	vsub.f32 v9, v3;
	v8 =	vld [tilespmem:s25+$0x240];
	v0 =	vadd.f32 v1, v0  }
0xac: {  	v1 =	vld [tilespmem:s25+$0x8240]  }
0xad: {  	v0 =	vadd.f32 v2, v0;
	v2 =	vmul.f32 v3, v3;
	v3 =	vsub.f32 v7, v4;
	v7 =	vld [tilespmem:s25+$0x250]  }
0xae: {  	v9 =	vld [tilespmem:s25+$0x8250]  }
.Ltmp2:
0xaf: {  	v2 =	vadd.f32 v2, v0;
	v4 =	vmul.f32 v3, v3;
	v5 =	vsub.f32 v6, v5;
	v0 =	vld [tilespmem:s25+$0x260];
	(pc) =	sbr.rel @p0 .LBB2_6-.Ltmp2, $4  }
0xb0: {  	v3 =	vld [tilespmem:s25+$0x8260]  }
0xb1: {  	v6 =	vadd.f32 v4, v2;
	v5 =	vmul.f32 v5, v5;
	v8 =	vsub.f32 v8, v1;
	v1 =	vld [tilespmem:s25+$0x270]  }
0xb2: {  	v4 =	vld [tilespmem:s25+$0x8270];
	s25 =	sshra.s32 s26, $0x2  }
0xb3: {  	s26 =	sadd.s32 $0x200, s26;
	v2 =	vld [tilespmem:s25+$0x200];
	v5 =	vadd.f32 v5, v6;
	v6 =	vmul.f32 v8, v8;
	v7 =	vsub.f32 v7, v9  }
0xb4: {  	v8 =	vld [tilespmem:s25+$0x8200]  }
0xb5: {  	v9 =	vld [tilespmem:s25+$0x210]  }
0xb6: {  	v10 =	vld [tilespmem:s25+$0x8210]  }
0xb7: {  	v11 =	vld [tilespmem:s25+$0x220]  }
0xb8: {  	v12 =	vld [tilespmem:s25+$0x8220]  }
0xb9: {  	v13 =	vld [tilespmem:s25+$0x230]  }
0xba: {  	v14 =	vld [tilespmem:s25+$0x8230];
	v5 =	vadd.f32 v6, v5;
	v6 =	vmul.f32 v7, v7;
	v0 =	vsub.f32 v0, v3  }
0xbb: {  	v60 =	vld [tilespmem:s25+$0x8270]  }
0xbc: {  	v3 =	vld [tilespmem:s25+$0x240];
	v5 =	vadd.f32 v6, v5;
	v0 =	vmul.f32 v0, v0;
	v1 =	vsub.f32 v1, v4  }
0xbd: {  	v7 =	vld [tilespmem:s25+$0x8240]  }
0xbe: {  	v4 =	vld [tilespmem:s25+$0x250];
	v2 =	vsub.f32 v2, v8;
	v0 =	vadd.f32 v0, v5;
	v1 =	vmul.f32 v1, v1  }
0xbf: {  	v6 =	vld [tilespmem:s25+$0x8250]  }
0xc0: {  	v5 =	vld [tilespmem:s25+$0x260];
	v9 =	vsub.f32 v9, v10;
	v2 =	vmul.f32 v2, v2;
	v0 =	vadd.f32 v1, v0  }
0xc1: {  	v8 =	vld [tilespmem:s25+$0x8260]  }
0xc2: {  	v1 =	vld [tilespmem:s25+$0x270];
	v9 =	vmul.f32 v9, v9;
	_ =	swait.ge [sflag:s20], $0x4000;
	v0 =	vadd.f32 v2, v0;
	v2 =	vsub.f32 v11, v12  }
0xc3: {  	[sflag:s20] =	ssyncset.done $0x0  }
0xc4: {  	v61 =	vsub.f32 v13, v14;
	[sflag:s20] =	ssyncadd.s32 $0xFFFFC000;
	v0 =	vadd.f32 v9, v0;
	v2 =	vmul.f32 v2, v2  }
0xc5: {  	_ =	swait.ge [sflag:s21], $0x4000  }
0xc6: {  	v3 =	vsub.f32 v3, v7;
	[sflag:s21] =	ssyncset.done $0x0;
	v0 =	vadd.f32 v2, v0;
	v2 =	vmul.f32 v61, v61  }
0xc7: {  	s26 =	simm.s32 $0x0;
	[sflag:s21] =	ssyncadd.s32 $0xFFFFC000  }
0xc8: {  	v0 =	vadd.f32 v2, v0;
	v2 =	vmul.f32 v3, v3;
	v3 =	vsub.f32 v4, v6;
	v4 =	vld [tilespmem:s26+$0x4200]  }
0xc9: {  	v6 =	vld [tilespmem:s26+$0xC200]  }
0xca: {  	v7 =	vld [tilespmem:s26+$0xC210];
	v0 =	vadd.f32 v2, v0;
	v2 =	vmul.f32 v3, v3;
	v3 =	vsub.f32 v5, v8  }
0xcb: {  	v5 =	vld [tilespmem:s26+$0x4210]  }
0xcc: {  	v1 =	vsub.f32 v1, v60;
	v8 =	vld [tilespmem:s26+$0xC220];
	v0 =	vadd.f32 v2, v0;
	v2 =	vmul.f32 v3, v3  }
0xcd: {  	v3 =	vld [tilespmem:s26+$0x4220]  }
0xce: {  	v1 =	vmul.f32 v1, v1;
	v0 =	vadd.f32 v2, v0;
	v2 =	vsub.f32 v4, v6;
	v4 =	vld [tilespmem:s26+$0x4230]  }
0xcf: {  	v6 =	vld [tilespmem:s26+$0xC230]  }
0xd0: {  	v0 =	vadd.f32 v1, v0;
	v1 =	vmul.f32 v2, v2;
	v2 =	vsub.f32 v5, v7;
	v5 =	vld [tilespmem:s26+$0x4240]  }
0xd1: {  	v7 =	vld [tilespmem:s26+$0xC240]  }
0xd2: {  	v62 =	vld [tilespmem:s26+$0xC250];
	v0 =	vadd.f32 v1, v0;
	v1 =	vmul.f32 v2, v2;
	v2 =	vsub.f32 v3, v8  }
0xd3: {  	v8 =	vld [tilespmem:s26+$0x4250]  }
0xd4: {  	v3 =	vld [tilespmem:s26+$0xC260];
	v4 =	vsub.f32 v4, v6;
	v1 =	vadd.f32 v1, v0;
	v2 =	vmul.f32 v2, v2  }
0xd5: {  	v0 =	vld [tilespmem:s26+$0x4260]  }
0xd6: {  	v63 =	vmul.f32 v4, v4;
	v7 =	vsub.f32 v5, v7;
	v4 =	vld [tilespmem:s26+$0xC270];
	v6 =	vadd.f32 v2, v1  }
0xd7: {  	s25 =	simm.s32 $0x80;
	v1 =	vld [tilespmem:s26+$0x4270]  }
0xd8: {  	v2 =	vld [tilespmem:s25+$0x4200];
	s26 =	simm.s32 $0x400;
	v5 =	vadd.f32 v63, v6;
	v6 =	vmul.f32 v7, v7;
	v7 =	vsub.f32 v8, v62  }
.LBB2_8:
0xd9: {  	p0 =	sne.s32 s26, $0xFE00;
	v8 =	vld [tilespmem:s25+$0xC200]  }
0xda: {  	v9 =	vld [tilespmem:s25+$0x4210];
	v5 =	vadd.f32 v6, v5;
	v6 =	vmul.f32 v7, v7;
	v0 =	vsub.f32 v0, v3  }
0xdb: {  	v3 =	vld [tilespmem:s25+$0xC210]  }
0xdc: {  	v7 =	vld [tilespmem:s25+$0x4220];
	v5 =	vadd.f32 v6, v5;
	v0 =	vmul.f32 v0, v0;
	v1 =	vsub.f32 v1, v4  }
0xdd: {  	v4 =	vld [tilespmem:s25+$0xC220]  }
0xde: {  	v2 =	vsub.f32 v2, v8;
	v6 =	vld [tilespmem:s25+$0x4230];
	v0 =	vadd.f32 v0, v5;
	v1 =	vmul.f32 v1, v1  }
0xdf: {  	v5 =	vld [tilespmem:s25+$0xC230]  }
0xe0: {  	v2 =	vmul.f32 v2, v2;
	v3 =	vsub.f32 v9, v3;
	v8 =	vld [tilespmem:s25+$0x4240];
	v0 =	vadd.f32 v1, v0  }
0xe1: {  	v1 =	vld [tilespmem:s25+$0xC240]  }
0xe2: {  	v0 =	vadd.f32 v2, v0;
	v2 =	vmul.f32 v3, v3;
	v3 =	vsub.f32 v7, v4;
	v7 =	vld [tilespmem:s25+$0x4250]  }
0xe3: {  	v9 =	vld [tilespmem:s25+$0xC250]  }
.Ltmp3:
0xe4: {  	v2 =	vadd.f32 v2, v0;
	v4 =	vmul.f32 v3, v3;
	v5 =	vsub.f32 v6, v5;
	v0 =	vld [tilespmem:s25+$0x4260];
	(pc) =	sbr.rel @p0 .LBB2_8-.Ltmp3, $4  }
0xe5: {  	v3 =	vld [tilespmem:s25+$0xC260]  }
0xe6: {  	v6 =	vadd.f32 v4, v2;
	v5 =	vmul.f32 v5, v5;
	v8 =	vsub.f32 v8, v1;
	v1 =	vld [tilespmem:s25+$0x4270]  }
0xe7: {  	v4 =	vld [tilespmem:s25+$0xC270];
	s25 =	sshra.s32 s26, $0x2  }
0xe8: {  	s26 =	sadd.s32 $0x200, s26;
	v2 =	vld [tilespmem:s25+$0x4200];
	v5 =	vadd.f32 v5, v6;
	v6 =	vmul.f32 v8, v8;
	v7 =	vsub.f32 v7, v9  }
0xe9: {  	v8 =	vld [tilespmem:s25+$0xC200]  }
0xea: {  	v9 =	vld [tilespmem:s25+$0x4210];
	v5 =	vadd.f32 v6, v5;
	v39 =	vmul.f32 v7, v7;
	v0 =	vsub.f32 v0, v3  }
0xeb: {  	v40 =	vld [tilespmem:s25+$0xC210]  }
0xec: {  	v41 =	vld [tilespmem:s25+$0x4220];
	v5 =	vadd.f32 v39, v5;
	v0 =	vmul.f32 v0, v0;
	v1 =	vsub.f32 v1, v4  }
0xed: {  	v42 =	vld [tilespmem:s25+$0xC220]  }
0xee: {  	v43 =	vld [tilespmem:s25+$0x4230];
	v2 =	vsub.f32 v2, v8;
	v0 =	vadd.f32 v0, v5;
	v1 =	vmul.f32 v1, v1  }
0xef: {  	v44 =	vld [tilespmem:s25+$0xC230]  }
0xf0: {  	v45 =	vld [tilespmem:s25+$0x4240];
	v3 =	vsub.f32 v9, v40;
	v2 =	vmul.f32 v2, v2;
	v0 =	vadd.f32 v1, v0  }
0xf1: {  	v46 =	vld [tilespmem:s25+$0xC240]  }
0xf2: {  	v49 =	vld [tilespmem:s25+$0x4250];
	v48 =	vsub.f32 v41, v42;
	v47 =	vmul.f32 v3, v3;
	v0 =	vadd.f32 v2, v0  }
0xf3: {  	v50 =	vld [tilespmem:s25+$0xC250]  }
0xf4: {  	v53 =	vld [tilespmem:s25+$0x4260];
	v52 =	vsub.f32 v43, v44;
	v51 =	vmul.f32 v48, v48;
	v0 =	vadd.f32 v47, v0  }
0xf5: {  	v54 =	vld [tilespmem:s25+$0xC260]  }
0xf6: {  	v56 =	vld [tilespmem:s25+$0x4270];
	v55 =	vmul.f32 v52, v52;
	v1 =	vsub.f32 v45, v46;
	v0 =	vadd.f32 v51, v0  }
0xf7: {  	v57 =	vld [tilespmem:s25+$0xC270]  }
0xf8: {  	v58 =	vsub.f32 v49, v50;
	v1 =	vmul.f32 v1, v1;
	v0 =	vadd.f32 v55, v0;
	_ =	sdelay $0x1  }
0xf9: {  	v60 =	vsub.f32 v53, v54;
	v59 =	vmul.f32 v58, v58;
	v0 =	vadd.f32 v1, v0;
	_ =	sdelay $0x1  }
0xfa: {  	v62 =	vsub.f32 v56, v57;
	v61 =	vmul.f32 v60, v60;
	v0 =	vadd.f32 v59, v0;
	_ =	sdelay $0x1  }
0xfb: {  	v63 =	vmul.f32 v62, v62;
	v0 =	vadd.f32 v61, v0;
	_ =	sdelay $0x1  }
0xfc: {  	s24 =	sadd.s32 $0x1, s24;
	v0 =	vadd.f32 v63, v0  }
0xfd: {  	p0 =	sne.s32 s24, s10  }
.Ltmp4:
0xfe: {  	[tilespmem:$0x10200] =	vst v0;
	(pc) =	sbr.rel @p0 .LBB2_1-.Ltmp4, $4  }
0xff: {  	[hbm4b:s9+s3] =	stream.linear.scatter [tilespmem:s23], [sflag:$0x5], $0x80, $0x38;
	[tilespmem:$0x10280] =	vst v63  }
0x100: {  	_ =	swait.ge [sflag:s11], $0x80  }
0x101: {  	[sflag:s11] =	ssyncset.done $0x0  }
0x102: {  	[sflag:s11] =	ssyncadd.s32 $0xFFFFFF80  }
0x103: {  	_ =	sfence.sel $0x180000  }
0x104: {  	[bflag:$0x0] =	sbarrier.arrive $0xFFFF  }
0x105: {  	p0 =	sne.s32 s1, $0x0;
	_ =	strace $0x90000047  }
0x106: {  	s0 =	sadd.s32 @!p0 $0x100000, s0;
	[bflag:$0x2] =	sbarrier.arrive $0xFFFF  }
0x107: {  	[sflag:s0] =	ssyncadd.tile.s32 @!p0 $0x1;
	_ =	shalt  }
.Lfunc_end2:
_tile_overlayer_lowered:
.L_overlay_start_2:
0x108: {  	(tag) =	ssettag $0x2  }
0x109: {  	s0 =	rddreg [dreg:$0x0];
	s2 =	stileid.u32  }
0x10a: {  	s1 =	rddreg [dreg:$0x1];
	p0 =	sne.s32 s2, $0x0  }
0x10b: {  	s3 =	rddreg [dreg:$0x2];
	[bflag:$0x3] =	sbarrier.arrive $0xFFFF;
	s2 =	simm.s32 @!p0 $0x1C05  }
0x10c: {  	[timem:s3], [sflag:s2] =	dma.local @!p0 [hbm:s0], s1  }
0x10d: {  	s0 =	simm.s32 @!p0 $0x5  }
0x10e: {  	_ =	swait.ge @!p0 [sflag:s0], s1  }
0x10f: {  	s1 =	ssub.s32 @!p0 $0x0, s1;
	[sflag:s0] =	ssyncset.done @!p0 $0x0  }
0x110: {  	[sflag:s0] =	ssyncadd.s32 @!p0 s1  }
0x111: {  	[bflag:$0x3] =	sbarrier.arrive $0xFFFF  }
0x112: {  	_ =	shalt  }

</sc_bundles>
